<compile_context>
chip_gen: v7x
topology: tpu7x:2x2x1
jax: 0.10.2.dev20260603
libtpu: 0.0.44.dev20260713+nightly
codegen_flags: <defaults>
</compile_context>

<pallas_src>
import jax
import jax.numpy as jnp
from jax import lax
from jax.experimental import pallas as pl
from jax.experimental.pallas import tpu as pltpu
from jax.experimental.pallas import tpu_sc as plsc

B, L, D = 4096, 200, 128
TROWS = L + 8

_info = plsc.get_sparse_core_info()
NC, NS, LANES = _info.num_cores, _info.num_subcores, _info.num_lanes
NW = NC * NS
ROWS = B * L
ROWS_PER_W = ROWS // NW
CHUNK = 128
STEPS = ROWS_PER_W // CHUNK
NSLOT = 4
VPC = CHUNK // LANES

_mesh = plsc.VectorSubcoreMesh(core_axis_name="c", subcore_axis_name="s")


def _wrap(p):
    return jnp.where(p >= L, p - L, p)


def _pos_encoding_sc(mask_hbm, table_hbm, out_hbm, mask_v,
                     idx_s, rows_v, tab_sh, semg, semw):
    sid = lax.axis_index("s")
    wid = sid * NC + lax.axis_index("c")
    base_w = wid * ROWS_PER_W
    tab_base = sid * TROWS
    lane = lax.iota(jnp.int32, LANES)

    pltpu.async_copy(table_hbm.at[pl.ds(wid * TROWS, TROWS)],
                     tab_sh.at[pl.ds(tab_base, TROWS)], semw[0])
    pltpu.async_copy(mask_hbm.at[pl.ds(base_w, ROWS_PER_W)], mask_v,
                     semw[1])
    pltpu.make_async_copy(table_hbm.at[pl.ds(wid * TROWS, TROWS)],
                          tab_sh.at[pl.ds(tab_base, TROWS)], semw[0]).wait()
    pltpu.make_async_copy(mask_hbm.at[pl.ds(base_w, ROWS_PER_W)], mask_v,
                          semw[1]).wait()

    def gather(c, slot):
        return pltpu.async_copy(tab_sh.at[idx_s[slot]],
                                rows_v.at[slot], semg[slot])

    def write(c, slot):
        return pltpu.async_copy(rows_v.at[slot],
                                out_hbm.at[pl.ds(base_w + c * CHUNK, CHUNK)],
                                semw[slot])

    pos = lane
    for c0 in (0, 1):
        p = pos
        for v in range(VPC):
            m = mask_v[pl.ds(c0 * CHUNK + v * LANES, LANES)]
            zrow = tab_base + L + (v % 8)
            idx_s[c0][pl.ds(v * LANES, LANES)] = jnp.where(
                m != 0, zrow, tab_base + p)
            p = _wrap(p + LANES)
        gather(c0, c0)
        pos = p

    def body2(k, pos):
        for b in range(NSLOT):
            c = 4 * k + b
            sg = (b + 2) % NSLOT

            @pl.when(c >= 2)
            def _():
                pltpu.make_async_copy(
                    rows_v.at[sg],
                    out_hbm.at[pl.ds(base_w, CHUNK)], semw[sg]).wait()

            @pl.when(c + 2 < STEPS)
            def _():
                p = pos
                for v in range(VPC):
                    m = mask_v[pl.ds((c + 2) * CHUNK + v * LANES, LANES)]
                    zrow = tab_base + L + (v % 8)
                    idx_s[sg][pl.ds(v * LANES, LANES)] = jnp.where(
                        m != 0, zrow, tab_base + p)
                    p = _wrap(p + LANES)
                gather(c + 2, sg)

            pltpu.make_async_copy(
                table_hbm.at[idx_s[b]], rows_v.at[b], semg[b]).wait()
            write(c, b)
            pos = _wrap(pos + CHUNK)
        return pos

    lax.fori_loop(0, STEPS // NSLOT, body2, pos)

    for b in (2, 3):
        pltpu.make_async_copy(
            rows_v.at[b], out_hbm.at[pl.ds(base_w, CHUNK)], semw[b]).wait()


_sc_call = pl.kernel(
    _pos_encoding_sc,
    mesh=_mesh,
    out_type=jax.ShapeDtypeStruct((ROWS, D), jnp.float32),
    scratch_types=[
        pltpu.VMEM((ROWS_PER_W,), jnp.int32),
        [pltpu.VMEM((CHUNK,), jnp.int32)] * NSLOT,
        pltpu.VMEM((NSLOT, CHUNK, D), jnp.float32),
        pltpu.VMEM_SHARED((NS * TROWS, D), jnp.float32),
        [pltpu.SemaphoreType.DMA] * NSLOT,
        [pltpu.SemaphoreType.DMA] * NSLOT,
    ],
)


def kernel(x_shape, padding_mask, sinusoid_table):
    mask_flat = padding_mask.reshape(-1).astype(jnp.int32)
    table_ext = jnp.concatenate(
        [sinusoid_table, jnp.zeros((TROWS - L, D), jnp.float32)], axis=0)
    table_rep = jnp.tile(table_ext, (NW, 1))
    out = _sc_call(mask_flat, table_rep)
    return out.reshape(B, L, D)

# --- scband reference (transcript-rebuilt; emitter-appended) ---
"""Pipeline reference for scband-pos-encoding-65197603553958 (READ-ONLY COPY).

The authoritative reference and input builder live on the scoring server;
editing this copy changes nothing except your own understanding.
"""

import jax, jax.numpy as jnp
import numpy as np

MAX_LEN = 200


def _build_sinusoid_table(embeddings_size):
    pos = np.arange(MAX_LEN, dtype=np.float64)[:, None]
    i = np.arange(embeddings_size, dtype=np.float64)[None, :]
    table = pos / np.power(10000.0, 2.0 * (np.floor(i / 2.0)) / embeddings_size)
    table[:, 0::2] = np.sin(table[:, 0::2])
    table[:, 1::2] = np.cos(table[:, 1::2])
    return jnp.asarray(table, dtype=jnp.float32)


def setup_inputs(seed: int = 0):
    key = jax.random.key(seed)
    B, L, D = 4096, 200, 128
    padding_mask = jax.random.randint(jax.random.fold_in(key, 1), (B, L), 0, 2).astype(bool)
    sinusoid_table = _build_sinusoid_table(D)
    return {"x_shape": (B, L, D), "padding_mask": padding_mask, "sinusoid_table": sinusoid_table}


def reference(x_shape, padding_mask, sinusoid_table):
    # Faithful to the torch forward: encoding starts as zeros; for every batch row,
    # table rows at non-pad positions p are scatter-written to encoding[i, p, :].
    # This is exactly: encoding[i, p, :] = table[p, :] where ~padding_mask[i, p], else 0.
    B, L = padding_mask.shape
    D = sinusoid_table.shape[1]
    zero = (
        (jnp.asarray(x_shape[0]) - B)
        + (jnp.asarray(x_shape[1]) - L)
        + (jnp.asarray(x_shape[2]) - D)
    ).astype(jnp.float32) * 0.0
    table = sinusoid_table[:L, :]
    encoding = jnp.zeros((B, L, D), dtype=jnp.float32)
    encoding = jnp.where(~padding_mask[:, :, None], jnp.broadcast_to(table[None, :, :], (B, L, D)), encoding)
    return encoding + zero

if __name__ == "__main__":
    import jax
    _d = setup_inputs()
    print(jax.jit(kernel)(*tuple(_d.values())))

</pallas_src>

<mosaic_0001>
#map = affine_map<(d0, d1) -> (0)>
#map1 = affine_map<(d0, d1) -> (0, 0)>
module attributes {stable_mosaic.version = 14 : i64} {
  func.func @_pos_encoding_sc(%arg0: i32, %arg1: i32, %arg2: memref<819200xi32, #tpu.memory_space<hbm>>, %arg3: memref<6656x128xf32, #tpu.memory_space<hbm>>, %arg4: memref<819200x128xf32, #tpu.memory_space<hbm>>, %arg5: memref<25600xi32, #tpu.memory_space<vmem>>, %arg6: memref<128xi32, #tpu.memory_space<vmem>>, %arg7: memref<128xi32, #tpu.memory_space<vmem>>, %arg8: memref<128xi32, #tpu.memory_space<vmem>>, %arg9: memref<128xi32, #tpu.memory_space<vmem>>, %arg10: memref<4x128x128xf32, #tpu.memory_space<vmem>>, %arg11: memref<3328x128xf32, #tpu.memory_space<vmem_shared>>, %arg12: memref<!tpu.dma_semaphore, #tpu.memory_space<semaphore_mem>>, %arg13: memref<!tpu.dma_semaphore, #tpu.memory_space<semaphore_mem>>, %arg14: memref<!tpu.dma_semaphore, #tpu.memory_space<semaphore_mem>>, %arg15: memref<!tpu.dma_semaphore, #tpu.memory_space<semaphore_mem>>, %arg16: memref<!tpu.dma_semaphore, #tpu.memory_space<semaphore_mem>>, %arg17: memref<!tpu.dma_semaphore, #tpu.memory_space<semaphore_mem>>, %arg18: memref<!tpu.dma_semaphore, #tpu.memory_space<semaphore_mem>>, %arg19: memref<!tpu.dma_semaphore, #tpu.memory_space<semaphore_mem>>) attributes {dimension_semantics = [#tpu.dimension_semantics<core_parallel>, #tpu.dimension_semantics<subcore_parallel>], iteration_bounds = array<i64: 2, 16>, scalar_prefetch = 0 : i64, scratch_operands = 15 : i64, tpu.core_type = #tpu.core_type<sc_vector_subcore>, window_params = [{transform_indices = #map}, {transform_indices = #map1}, {transform_indices = #map1}]} {
    %mul3A = arith.constant 2 : i32
    %mul3A_0 = arith.muli %arg1, %mul3A : i32
    %add3A = arith.addi %mul3A_0, %arg0 : i32
    %mul3A_1 = arith.constant 25600 : i32
    %mul3A_2 = arith.muli %add3A, %mul3A_1 : i32
    %mul3A_3 = arith.constant 208 : i32
    %mul3A_4 = arith.muli %arg1, %mul3A_3 : i32
    %iota3A = tpu.iota {dimensions = array<i32: 0>} : vector<16xi32>
    %mul3A_5 = arith.constant 208 : i32
    %mul3A_6 = arith.muli %add3A, %mul3A_5 : i32
    %dma_start3A = arith.constant 0 : i32
    %dma_start3A_7 = tpu.memref_slice %arg11[%mul3A_4, %dma_start3A] : memref<3328x128xf32, #tpu.memory_space<vmem_shared>> -> memref<208x128xf32, #tpu.memory_space<vmem_shared>>
    %dma_start3A_8 = arith.constant 0 : i32
    %dma_start3A_9 = tpu.memref_slice %arg3[%mul3A_6, %dma_start3A_8] : memref<6656x128xf32, #tpu.memory_space<hbm>> -> memref<208x128xf32, #tpu.memory_space<hbm>>
    tpu.enqueue_dma source(%dma_start3A_9 : memref<208x128xf32, #tpu.memory_space<hbm>>) target(%dma_start3A_7 : memref<208x128xf32, #tpu.memory_space<vmem_shared>>) target_semaphore(%arg16 : memref<!tpu.dma_semaphore, #tpu.memory_space<semaphore_mem>>)
    %dma_start3A_10 = tpu.memref_slice %arg2[%mul3A_2] : memref<819200xi32, #tpu.memory_space<hbm>> -> memref<25600xi32, #tpu.memory_space<hbm>>
    %dma_start3A_11 = tpu.memref_slice %arg2[%mul3A_2] : memref<819200xi32, #tpu.memory_space<hbm>> -> memref<25600xi32, #tpu.memory_space<hbm>>
    tpu.enqueue_dma source(%dma_start3A_11 : memref<25600xi32, #tpu.memory_space<hbm>>) target(%arg5 : memref<25600xi32, #tpu.memory_space<vmem>>) target_semaphore(%arg17 : memref<!tpu.dma_semaphore, #tpu.memory_space<semaphore_mem>>)
    %mul3A_12 = arith.constant 208 : i32
    %mul3A_13 = arith.muli %add3A, %mul3A_12 : i32
    %dma_wait3A = arith.constant 0 : i32
    %dma_wait3A_14 = tpu.memref_slice %arg11[%mul3A_4, %dma_wait3A] : memref<3328x128xf32, #tpu.memory_space<vmem_shared>> -> memref<208x128xf32, #tpu.memory_space<vmem_shared>>
    %dma_wait3A_15 = arith.constant 0 : i32
    %dma_wait3A_16 = tpu.memref_slice %arg3[%mul3A_13, %dma_wait3A_15] : memref<6656x128xf32, #tpu.memory_space<hbm>> -> memref<208x128xf32, #tpu.memory_space<hbm>>
    tpu.wait_dma2 semaphore(%arg16 : memref<!tpu.dma_semaphore, #tpu.memory_space<semaphore_mem>>) src(%dma_wait3A_16 : memref<208x128xf32, #tpu.memory_space<hbm>>) dst(%dma_wait3A_14 : memref<208x128xf32, #tpu.memory_space<vmem_shared>>)
    %dma_wait3A_17 = tpu.memref_slice %arg2[%mul3A_2] : memref<819200xi32, #tpu.memory_space<hbm>> -> memref<25600xi32, #tpu.memory_space<hbm>>
    %dma_wait3A_18 = tpu.memref_slice %arg2[%mul3A_2] : memref<819200xi32, #tpu.memory_space<hbm>> -> memref<25600xi32, #tpu.memory_space<hbm>>
    tpu.wait_dma2 semaphore(%arg17 : memref<!tpu.dma_semaphore, #tpu.memory_space<semaphore_mem>>) src(%dma_wait3A_18 : memref<25600xi32, #tpu.memory_space<hbm>>) dst(%arg5 : memref<25600xi32, #tpu.memory_space<vmem>>)
    %get3A = arith.constant 0 : index
    %get3A_19 = tpu.vector_load %arg5[%get3A] {strides = array<i32>} : memref<25600xi32, #tpu.memory_space<vmem>>, vector<16xi32>,
    %get3A_20 = vector.shape_cast %get3A_19 : vector<16xi32> to vector<16xi32>
    %add3A_21 = arith.constant 200 : i32
    %add3A_22 = arith.addi %mul3A_4, %add3A_21 : i32
    %add3A_23 = arith.constant 0 : i32
    %add3A_24 = arith.addi %add3A_22, %add3A_23 : i32
    %ne3A = arith.constant 0 : i32
    %ne3A_25 = vector.broadcast %ne3A : i32 to vector<16xi32>
    %ne3A_26 = arith.cmpi ne, %get3A_20, %ne3A_25 : vector<16xi32>
    %add3A_27 = vector.broadcast %mul3A_4 : i32 to vector<16xi32>
    %add3A_28 = arith.addi %add3A_27, %iota3A : vector<16xi32>
    %broadcast_in_dim3A = vector.broadcast %add3A_24 : i32 to vector<16xi32>
    %select_n3A = arith.select %ne3A_26, %broadcast_in_dim3A, %add3A_28 : vector<16xi1>, vector<16xi32>
    %swap3A = arith.constant 0 : index
    %swap3A_29 = tpu.vector_load %arg6[%swap3A] {strides = array<i32>} : memref<128xi32, #tpu.memory_space<vmem>>, vector<16xi32>,
    %swap3A_30 = vector.shape_cast %swap3A_29 : vector<16xi32> to vector<16xi32>
    %swap3A_31 = vector.shape_cast %select_n3A : vector<16xi32> to vector<16xi32>
    tpu.vector_store %arg6[%swap3A], %swap3A_31 {strides = array<i32>} : memref<128xi32, #tpu.memory_space<vmem>>, vector<16xi32>,
    %add3A_32 = arith.constant 16 : i32
    %add3A_33 = vector.broadcast %add3A_32 : i32 to vector<16xi32>
    %add3A_34 = arith.addi %iota3A, %add3A_33 : vector<16xi32>
    %ge3A = arith.constant 200 : i32
    %ge3A_35 = vector.broadcast %ge3A : i32 to vector<16xi32>
    %ge3A_36 = arith.cmpi sge, %add3A_34, %ge3A_35 : vector<16xi32>
    %sub3A = arith.constant 200 : i32
    %sub3A_37 = vector.broadcast %sub3A : i32 to vector<16xi32>
    %sub3A_38 = arith.subi %add3A_34, %sub3A_37 : vector<16xi32>
    %select_n3A_39 = arith.select %ge3A_36, %sub3A_38, %add3A_34 : vector<16xi1>, vector<16xi32>
    %get3A_40 = arith.constant 16 : index
    %get3A_41 = tpu.vector_load %arg5[%get3A_40] {strides = array<i32>} : memref<25600xi32, #tpu.memory_space<vmem>>, vector<16xi32>,
    %get3A_42 = vector.shape_cast %get3A_41 : vector<16xi32> to vector<16xi32>
    %add3A_43 = arith.constant 200 : i32
    %add3A_44 = arith.addi %mul3A_4, %add3A_43 : i32
    %add3A_45 = arith.constant 1 : i32
    %add3A_46 = arith.addi %add3A_44, %add3A_45 : i32
    %ne3A_47 = arith.constant 0 : i32
    %ne3A_48 = vector.broadcast %ne3A_47 : i32 to vector<16xi32>
    %ne3A_49 = arith.cmpi ne, %get3A_42, %ne3A_48 : vector<16xi32>
    %add3A_50 = vector.broadcast %mul3A_4 : i32 to vector<16xi32>
    %add3A_51 = arith.addi %add3A_50, %select_n3A_39 : vector<16xi32>
    %broadcast_in_dim3A_52 = vector.broadcast %add3A_46 : i32 to vector<16xi32>
    %select_n3A_53 = arith.select %ne3A_49, %broadcast_in_dim3A_52, %add3A_51 : vector<16xi1>, vector<16xi32>
    %swap3A_54 = arith.constant 16 : index
    %swap3A_55 = tpu.vector_load %arg6[%swap3A_54] {strides = array<i32>} : memref<128xi32, #tpu.memory_space<vmem>>, vector<16xi32>,
    %swap3A_56 = vector.shape_cast %swap3A_55 : vector<16xi32> to vector<16xi32>
    %swap3A_57 = vector.shape_cast %select_n3A_53 : vector<16xi32> to vector<16xi32>
    tpu.vector_store %arg6[%swap3A_54], %swap3A_57 {strides = array<i32>} : memref<128xi32, #tpu.memory_space<vmem>>, vector<16xi32>,
    %add3A_58 = arith.constant 16 : i32
    %add3A_59 = vector.broadcast %add3A_58 : i32 to vector<16xi32>
    %add3A_60 = arith.addi %select_n3A_39, %add3A_59 : vector<16xi32>
    %ge3A_61 = arith.constant 200 : i32
    %ge3A_62 = vector.broadcast %ge3A_61 : i32 to vector<16xi32>
    %ge3A_63 = arith.cmpi sge, %add3A_60, %ge3A_62 : vector<16xi32>
    %sub3A_64 = arith.constant 200 : i32
    %sub3A_65 = vector.broadcast %sub3A_64 : i32 to vector<16xi32>
    %sub3A_66 = arith.subi %add3A_60, %sub3A_65 : vector<16xi32>
    %select_n3A_67 = arith.select %ge3A_63, %sub3A_66, %add3A_60 : vector<16xi1>, vector<16xi32>
    %get3A_68 = arith.constant 32 : index
    %get3A_69 = tpu.vector_load %arg5[%get3A_68] {strides = array<i32>} : memref<25600xi32, #tpu.memory_space<vmem>>, vector<16xi32>,
    %get3A_70 = vector.shape_cast %get3A_69 : vector<16xi32> to vector<16xi32>
    %add3A_71 = arith.constant 200 : i32
    %add3A_72 = arith.addi %mul3A_4, %add3A_71 : i32
    %add3A_73 = arith.constant 2 : i32
    %add3A_74 = arith.addi %add3A_72, %add3A_73 : i32
    %ne3A_75 = arith.constant 0 : i32
    %ne3A_76 = vector.broadcast %ne3A_75 : i32 to vector<16xi32>
    %ne3A_77 = arith.cmpi ne, %get3A_70, %ne3A_76 : vector<16xi32>
    %add3A_78 = vector.broadcast %mul3A_4 : i32 to vector<16xi32>
    %add3A_79 = arith.addi %add3A_78, %select_n3A_67 : vector<16xi32>
    %broadcast_in_dim3A_80 = vector.broadcast %add3A_74 : i32 to vector<16xi32>
    %select_n3A_81 = arith.select %ne3A_77, %broadcast_in_dim3A_80, %add3A_79 : vector<16xi1>, vector<16xi32>
    %swap3A_82 = arith.constant 32 : index
    %swap3A_83 = tpu.vector_load %arg6[%swap3A_82] {strides = array<i32>} : memref<128xi32, #tpu.memory_space<vmem>>, vector<16xi32>,
    %swap3A_84 = vector.shape_cast %swap3A_83 : vector<16xi32> to vector<16xi32>
    %swap3A_85 = vector.shape_cast %select_n3A_81 : vector<16xi32> to vector<16xi32>
    tpu.vector_store %arg6[%swap3A_82], %swap3A_85 {strides = array<i32>} : memref<128xi32, #tpu.memory_space<vmem>>, vector<16xi32>,
    %add3A_86 = arith.constant 16 : i32
    %add3A_87 = vector.broadcast %add3A_86 : i32 to vector<16xi32>
    %add3A_88 = arith.addi %select_n3A_67, %add3A_87 : vector<16xi32>
    %ge3A_89 = arith.constant 200 : i32
    %ge3A_90 = vector.broadcast %ge3A_89 : i32 to vector<16xi32>
    %ge3A_91 = arith.cmpi sge, %add3A_88, %ge3A_90 : vector<16xi32>
    %sub3A_92 = arith.constant 200 : i32
    %sub3A_93 = vector.broadcast %sub3A_92 : i32 to vector<16xi32>
    %sub3A_94 = arith.subi %add3A_88, %sub3A_93 : vector<16xi32>
    %select_n3A_95 = arith.select %ge3A_91, %sub3A_94, %add3A_88 : vector<16xi1>, vector<16xi32>
    %get3A_96 = arith.constant 48 : index
    %get3A_97 = tpu.vector_load %arg5[%get3A_96] {strides = array<i32>} : memref<25600xi32, #tpu.memory_space<vmem>>, vector<16xi32>,
    %get3A_98 = vector.shape_cast %get3A_97 : vector<16xi32> to vector<16xi32>
    %add3A_99 = arith.constant 200 : i32
    %add3A_100 = arith.addi %mul3A_4, %add3A_99 : i32
    %add3A_101 = arith.constant 3 : i32
    %add3A_102 = arith.addi %add3A_100, %add3A_101 : i32
    %ne3A_103 = arith.constant 0 : i32
    %ne3A_104 = vector.broadcast %ne3A_103 : i32 to vector<16xi32>
    %ne3A_105 = arith.cmpi ne, %get3A_98, %ne3A_104 : vector<16xi32>
    %add3A_106 = vector.broadcast %mul3A_4 : i32 to vector<16xi32>
    %add3A_107 = arith.addi %add3A_106, %select_n3A_95 : vector<16xi32>
    %broadcast_in_dim3A_108 = vector.broadcast %add3A_102 : i32 to vector<16xi32>
    %select_n3A_109 = arith.select %ne3A_105, %broadcast_in_dim3A_108, %add3A_107 : vector<16xi1>, vector<16xi32>
    %swap3A_110 = arith.constant 48 : index
    %swap3A_111 = tpu.vector_load %arg6[%swap3A_110] {strides = array<i32>} : memref<128xi32, #tpu.memory_space<vmem>>, vector<16xi32>,
    %swap3A_112 = vector.shape_cast %swap3A_111 : vector<16xi32> to vector<16xi32>
    %swap3A_113 = vector.shape_cast %select_n3A_109 : vector<16xi32> to vector<16xi32>
    tpu.vector_store %arg6[%swap3A_110], %swap3A_113 {strides = array<i32>} : memref<128xi32, #tpu.memory_space<vmem>>, vector<16xi32>,
    %add3A_114 = arith.constant 16 : i32
    %add3A_115 = vector.broadcast %add3A_114 : i32 to vector<16xi32>
    %add3A_116 = arith.addi %select_n3A_95, %add3A_115 : vector<16xi32>
    %ge3A_117 = arith.constant 200 : i32
    %ge3A_118 = vector.broadcast %ge3A_117 : i32 to vector<16xi32>
    %ge3A_119 = arith.cmpi sge, %add3A_116, %ge3A_118 : vector<16xi32>
    %sub3A_120 = arith.constant 200 : i32
    %sub3A_121 = vector.broadcast %sub3A_120 : i32 to vector<16xi32>
    %sub3A_122 = arith.subi %add3A_116, %sub3A_121 : vector<16xi32>
    %select_n3A_123 = arith.select %ge3A_119, %sub3A_122, %add3A_116 : vector<16xi1>, vector<16xi32>
    %get3A_124 = arith.constant 64 : index
    %get3A_125 = tpu.vector_load %arg5[%get3A_124] {strides = array<i32>} : memref<25600xi32, #tpu.memory_space<vmem>>, vector<16xi32>,
    %get3A_126 = vector.shape_cast %get3A_125 : vector<16xi32> to vector<16xi32>
    %add3A_127 = arith.constant 200 : i32
    %add3A_128 = arith.addi %mul3A_4, %add3A_127 : i32
    %add3A_129 = arith.constant 4 : i32
    %add3A_130 = arith.addi %add3A_128, %add3A_129 : i32
    %ne3A_131 = arith.constant 0 : i32
    %ne3A_132 = vector.broadcast %ne3A_131 : i32 to vector<16xi32>
    %ne3A_133 = arith.cmpi ne, %get3A_126, %ne3A_132 : vector<16xi32>
    %add3A_134 = vector.broadcast %mul3A_4 : i32 to vector<16xi32>
    %add3A_135 = arith.addi %add3A_134, %select_n3A_123 : vector<16xi32>
    %broadcast_in_dim3A_136 = vector.broadcast %add3A_130 : i32 to vector<16xi32>
    %select_n3A_137 = arith.select %ne3A_133, %broadcast_in_dim3A_136, %add3A_135 : vector<16xi1>, vector<16xi32>
    %swap3A_138 = arith.constant 64 : index
    %swap3A_139 = tpu.vector_load %arg6[%swap3A_138] {strides = array<i32>} : memref<128xi32, #tpu.memory_space<vmem>>, vector<16xi32>,
    %swap3A_140 = vector.shape_cast %swap3A_139 : vector<16xi32> to vector<16xi32>
    %swap3A_141 = vector.shape_cast %select_n3A_137 : vector<16xi32> to vector<16xi32>
    tpu.vector_store %arg6[%swap3A_138], %swap3A_141 {strides = array<i32>} : memref<128xi32, #tpu.memory_space<vmem>>, vector<16xi32>,
    %add3A_142 = arith.constant 16 : i32
    %add3A_143 = vector.broadcast %add3A_142 : i32 to vector<16xi32>
    %add3A_144 = arith.addi %select_n3A_123, %add3A_143 : vector<16xi32>
    %ge3A_145 = arith.constant 200 : i32
    %ge3A_146 = vector.broadcast %ge3A_145 : i32 to vector<16xi32>
    %ge3A_147 = arith.cmpi sge, %add3A_144, %ge3A_146 : vector<16xi32>
    %sub3A_148 = arith.constant 200 : i32
    %sub3A_149 = vector.broadcast %sub3A_148 : i32 to vector<16xi32>
    %sub3A_150 = arith.subi %add3A_144, %sub3A_149 : vector<16xi32>
    %select_n3A_151 = arith.select %ge3A_147, %sub3A_150, %add3A_144 : vector<16xi1>, vector<16xi32>
    %get3A_152 = arith.constant 80 : index
    %get3A_153 = tpu.vector_load %arg5[%get3A_152] {strides = array<i32>} : memref<25600xi32, #tpu.memory_space<vmem>>, vector<16xi32>,
    %get3A_154 = vector.shape_cast %get3A_153 : vector<16xi32> to vector<16xi32>
    %add3A_155 = arith.constant 200 : i32
    %add3A_156 = arith.addi %mul3A_4, %add3A_155 : i32
    %add3A_157 = arith.constant 5 : i32
    %add3A_158 = arith.addi %add3A_156, %add3A_157 : i32
    %ne3A_159 = arith.constant 0 : i32
    %ne3A_160 = vector.broadcast %ne3A_159 : i32 to vector<16xi32>
    %ne3A_161 = arith.cmpi ne, %get3A_154, %ne3A_160 : vector<16xi32>
    %add3A_162 = vector.broadcast %mul3A_4 : i32 to vector<16xi32>
    %add3A_163 = arith.addi %add3A_162, %select_n3A_151 : vector<16xi32>
    %broadcast_in_dim3A_164 = vector.broadcast %add3A_158 : i32 to vector<16xi32>
    %select_n3A_165 = arith.select %ne3A_161, %broadcast_in_dim3A_164, %add3A_163 : vector<16xi1>, vector<16xi32>
    %swap3A_166 = arith.constant 80 : index
    %swap3A_167 = tpu.vector_load %arg6[%swap3A_166] {strides = array<i32>} : memref<128xi32, #tpu.memory_space<vmem>>, vector<16xi32>,
    %swap3A_168 = vector.shape_cast %swap3A_167 : vector<16xi32> to vector<16xi32>
    %swap3A_169 = vector.shape_cast %select_n3A_165 : vector<16xi32> to vector<16xi32>
    tpu.vector_store %arg6[%swap3A_166], %swap3A_169 {strides = array<i32>} : memref<128xi32, #tpu.memory_space<vmem>>, vector<16xi32>,
    %add3A_170 = arith.constant 16 : i32
    %add3A_171 = vector.broadcast %add3A_170 : i32 to vector<16xi32>
    %add3A_172 = arith.addi %select_n3A_151, %add3A_171 : vector<16xi32>
    %ge3A_173 = arith.constant 200 : i32
    %ge3A_174 = vector.broadcast %ge3A_173 : i32 to vector<16xi32>
    %ge3A_175 = arith.cmpi sge, %add3A_172, %ge3A_174 : vector<16xi32>
    %sub3A_176 = arith.constant 200 : i32
    %sub3A_177 = vector.broadcast %sub3A_176 : i32 to vector<16xi32>
    %sub3A_178 = arith.subi %add3A_172, %sub3A_177 : vector<16xi32>
    %select_n3A_179 = arith.select %ge3A_175, %sub3A_178, %add3A_172 : vector<16xi1>, vector<16xi32>
    %get3A_180 = arith.constant 96 : index
    %get3A_181 = tpu.vector_load %arg5[%get3A_180] {strides = array<i32>} : memref<25600xi32, #tpu.memory_space<vmem>>, vector<16xi32>,
    %get3A_182 = vector.shape_cast %get3A_181 : vector<16xi32> to vector<16xi32>
    %add3A_183 = arith.constant 200 : i32
    %add3A_184 = arith.addi %mul3A_4, %add3A_183 : i32
    %add3A_185 = arith.constant 6 : i32
    %add3A_186 = arith.addi %add3A_184, %add3A_185 : i32
    %ne3A_187 = arith.constant 0 : i32
    %ne3A_188 = vector.broadcast %ne3A_187 : i32 to vector<16xi32>
    %ne3A_189 = arith.cmpi ne, %get3A_182, %ne3A_188 : vector<16xi32>
    %add3A_190 = vector.broadcast %mul3A_4 : i32 to vector<16xi32>
    %add3A_191 = arith.addi %add3A_190, %select_n3A_179 : vector<16xi32>
    %broadcast_in_dim3A_192 = vector.broadcast %add3A_186 : i32 to vector<16xi32>
    %select_n3A_193 = arith.select %ne3A_189, %broadcast_in_dim3A_192, %add3A_191 : vector<16xi1>, vector<16xi32>
    %swap3A_194 = arith.constant 96 : index
    %swap3A_195 = tpu.vector_load %arg6[%swap3A_194] {strides = array<i32>} : memref<128xi32, #tpu.memory_space<vmem>>, vector<16xi32>,
    %swap3A_196 = vector.shape_cast %swap3A_195 : vector<16xi32> to vector<16xi32>
    %swap3A_197 = vector.shape_cast %select_n3A_193 : vector<16xi32> to vector<16xi32>
    tpu.vector_store %arg6[%swap3A_194], %swap3A_197 {strides = array<i32>} : memref<128xi32, #tpu.memory_space<vmem>>, vector<16xi32>,
    %add3A_198 = arith.constant 16 : i32
    %add3A_199 = vector.broadcast %add3A_198 : i32 to vector<16xi32>
    %add3A_200 = arith.addi %select_n3A_179, %add3A_199 : vector<16xi32>
    %ge3A_201 = arith.constant 200 : i32
    %ge3A_202 = vector.broadcast %ge3A_201 : i32 to vector<16xi32>
    %ge3A_203 = arith.cmpi sge, %add3A_200, %ge3A_202 : vector<16xi32>
    %sub3A_204 = arith.constant 200 : i32
    %sub3A_205 = vector.broadcast %sub3A_204 : i32 to vector<16xi32>
    %sub3A_206 = arith.subi %add3A_200, %sub3A_205 : vector<16xi32>
    %select_n3A_207 = arith.select %ge3A_203, %sub3A_206, %add3A_200 : vector<16xi1>, vector<16xi32>
    %get3A_208 = arith.constant 112 : index
    %get3A_209 = tpu.vector_load %arg5[%get3A_208] {strides = array<i32>} : memref<25600xi32, #tpu.memory_space<vmem>>, vector<16xi32>,
    %get3A_210 = vector.shape_cast %get3A_209 : vector<16xi32> to vector<16xi32>
    %add3A_211 = arith.constant 200 : i32
    %add3A_212 = arith.addi %mul3A_4, %add3A_211 : i32
    %add3A_213 = arith.constant 7 : i32
    %add3A_214 = arith.addi %add3A_212, %add3A_213 : i32
    %ne3A_215 = arith.constant 0 : i32
    %ne3A_216 = vector.broadcast %ne3A_215 : i32 to vector<16xi32>
    %ne3A_217 = arith.cmpi ne, %get3A_210, %ne3A_216 : vector<16xi32>
    %add3A_218 = vector.broadcast %mul3A_4 : i32 to vector<16xi32>
    %add3A_219 = arith.addi %add3A_218, %select_n3A_207 : vector<16xi32>
    %broadcast_in_dim3A_220 = vector.broadcast %add3A_214 : i32 to vector<16xi32>
    %select_n3A_221 = arith.select %ne3A_217, %broadcast_in_dim3A_220, %add3A_219 : vector<16xi1>, vector<16xi32>
    %swap3A_222 = arith.constant 112 : index
    %swap3A_223 = tpu.vector_load %arg6[%swap3A_222] {strides = array<i32>} : memref<128xi32, #tpu.memory_space<vmem>>, vector<16xi32>,
    %swap3A_224 = vector.shape_cast %swap3A_223 : vector<16xi32> to vector<16xi32>
    %swap3A_225 = vector.shape_cast %select_n3A_221 : vector<16xi32> to vector<16xi32>
    tpu.vector_store %arg6[%swap3A_222], %swap3A_225 {strides = array<i32>} : memref<128xi32, #tpu.memory_space<vmem>>, vector<16xi32>,
    %add3A_226 = arith.constant 16 : i32
    %add3A_227 = vector.broadcast %add3A_226 : i32 to vector<16xi32>
    %add3A_228 = arith.addi %select_n3A_207, %add3A_227 : vector<16xi32>
    %ge3A_229 = arith.constant 200 : i32
    %ge3A_230 = vector.broadcast %ge3A_229 : i32 to vector<16xi32>
    %ge3A_231 = arith.cmpi sge, %add3A_228, %ge3A_230 : vector<16xi32>
    %sub3A_232 = arith.constant 200 : i32
    %sub3A_233 = vector.broadcast %sub3A_232 : i32 to vector<16xi32>
    %sub3A_234 = arith.subi %add3A_228, %sub3A_233 : vector<16xi32>
    %select_n3A_235 = arith.select %ge3A_231, %sub3A_234, %add3A_228 : vector<16xi1>, vector<16xi32>
    %dma_start3A_236 = arith.constant 0 : i32
    %dma_start3A_237 = arith.constant 0 : i32
    %dma_start3A_238 = arith.constant 0 : i32
    %dma_start3A_239 = tpu.memref_slice %arg10[%dma_start3A_236, %dma_start3A_237, %dma_start3A_238] : memref<4x128x128xf32, #tpu.memory_space<vmem>> -> memref<1x128x128xf32, #tpu.memory_space<vmem>>
    %dma_start3A_240 = tpu.memref_squeeze %dma_start3A_239 : memref<1x128x128xf32, #tpu.memory_space<vmem>> -> memref<128x128xf32, #tpu.memory_space<vmem>>
    %dma_start3A_241 = arith.constant 0 : i32
    %dma_start3A_242 = arith.constant 0 : i32
    %dma_start3A_243 = tpu.memref_slice %arg11[%dma_start3A_241, %dma_start3A_242] : memref<3328x128xf32, #tpu.memory_space<vmem_shared>> -> memref<3328x128xf32, #tpu.memory_space<vmem_shared>>
    tpu.enqueue_indirect_dma source(%dma_start3A_243 : memref<3328x128xf32, #tpu.memory_space<vmem_shared>>) target(%dma_start3A_240 : memref<128x128xf32, #tpu.memory_space<vmem>>) offsets(%arg6 : memref<128xi32, #tpu.memory_space<vmem>>) semaphore(%arg12 : memref<!tpu.dma_semaphore, #tpu.memory_space<semaphore_mem>>)
    %get3A_244 = arith.constant 128 : index
    %get3A_245 = tpu.vector_load %arg5[%get3A_244] {strides = array<i32>} : memref<25600xi32, #tpu.memory_space<vmem>>, vector<16xi32>,
    %get3A_246 = vector.shape_cast %get3A_245 : vector<16xi32> to vector<16xi32>
    %add3A_247 = arith.constant 200 : i32
    %add3A_248 = arith.addi %mul3A_4, %add3A_247 : i32
    %add3A_249 = arith.constant 0 : i32
    %add3A_250 = arith.addi %add3A_248, %add3A_249 : i32
    %ne3A_251 = arith.constant 0 : i32
    %ne3A_252 = vector.broadcast %ne3A_251 : i32 to vector<16xi32>
    %ne3A_253 = arith.cmpi ne, %get3A_246, %ne3A_252 : vector<16xi32>
    %add3A_254 = vector.broadcast %mul3A_4 : i32 to vector<16xi32>
    %add3A_255 = arith.addi %add3A_254, %select_n3A_235 : vector<16xi32>
    %broadcast_in_dim3A_256 = vector.broadcast %add3A_250 : i32 to vector<16xi32>
    %select_n3A_257 = arith.select %ne3A_253, %broadcast_in_dim3A_256, %add3A_255 : vector<16xi1>, vector<16xi32>
    %swap3A_258 = arith.constant 0 : index
    %swap3A_259 = tpu.vector_load %arg7[%swap3A_258] {strides = array<i32>} : memref<128xi32, #tpu.memory_space<vmem>>, vector<16xi32>,
    %swap3A_260 = vector.shape_cast %swap3A_259 : vector<16xi32> to vector<16xi32>
    %swap3A_261 = vector.shape_cast %select_n3A_257 : vector<16xi32> to vector<16xi32>
    tpu.vector_store %arg7[%swap3A_258], %swap3A_261 {strides = array<i32>} : memref<128xi32, #tpu.memory_space<vmem>>, vector<16xi32>,
    %add3A_262 = arith.constant 16 : i32
    %add3A_263 = vector.broadcast %add3A_262 : i32 to vector<16xi32>
    %add3A_264 = arith.addi %select_n3A_235, %add3A_263 : vector<16xi32>
    %ge3A_265 = arith.constant 200 : i32
    %ge3A_266 = vector.broadcast %ge3A_265 : i32 to vector<16xi32>
    %ge3A_267 = arith.cmpi sge, %add3A_264, %ge3A_266 : vector<16xi32>
    %sub3A_268 = arith.constant 200 : i32
    %sub3A_269 = vector.broadcast %sub3A_268 : i32 to vector<16xi32>
    %sub3A_270 = arith.subi %add3A_264, %sub3A_269 : vector<16xi32>
    %select_n3A_271 = arith.select %ge3A_267, %sub3A_270, %add3A_264 : vector<16xi1>, vector<16xi32>
    %get3A_272 = arith.constant 144 : index
    %get3A_273 = tpu.vector_load %arg5[%get3A_272] {strides = array<i32>} : memref<25600xi32, #tpu.memory_space<vmem>>, vector<16xi32>,
    %get3A_274 = vector.shape_cast %get3A_273 : vector<16xi32> to vector<16xi32>
    %add3A_275 = arith.constant 200 : i32
    %add3A_276 = arith.addi %mul3A_4, %add3A_275 : i32
    %add3A_277 = arith.constant 1 : i32
    %add3A_278 = arith.addi %add3A_276, %add3A_277 : i32
    %ne3A_279 = arith.constant 0 : i32
    %ne3A_280 = vector.broadcast %ne3A_279 : i32 to vector<16xi32>
    %ne3A_281 = arith.cmpi ne, %get3A_274, %ne3A_280 : vector<16xi32>
    %add3A_282 = vector.broadcast %mul3A_4 : i32 to vector<16xi32>
    %add3A_283 = arith.addi %add3A_282, %select_n3A_271 : vector<16xi32>
    %broadcast_in_dim3A_284 = vector.broadcast %add3A_278 : i32 to vector<16xi32>
    %select_n3A_285 = arith.select %ne3A_281, %broadcast_in_dim3A_284, %add3A_283 : vector<16xi1>, vector<16xi32>
    %swap3A_286 = arith.constant 16 : index
    %swap3A_287 = tpu.vector_load %arg7[%swap3A_286] {strides = array<i32>} : memref<128xi32, #tpu.memory_space<vmem>>, vector<16xi32>,
    %swap3A_288 = vector.shape_cast %swap3A_287 : vector<16xi32> to vector<16xi32>
    %swap3A_289 = vector.shape_cast %select_n3A_285 : vector<16xi32> to vector<16xi32>
    tpu.vector_store %arg7[%swap3A_286], %swap3A_289 {strides = array<i32>} : memref<128xi32, #tpu.memory_space<vmem>>, vector<16xi32>,
    %add3A_290 = arith.constant 16 : i32
    %add3A_291 = vector.broadcast %add3A_290 : i32 to vector<16xi32>
    %add3A_292 = arith.addi %select_n3A_271, %add3A_291 : vector<16xi32>
    %ge3A_293 = arith.constant 200 : i32
    %ge3A_294 = vector.broadcast %ge3A_293 : i32 to vector<16xi32>
    %ge3A_295 = arith.cmpi sge, %add3A_292, %ge3A_294 : vector<16xi32>
    %sub3A_296 = arith.constant 200 : i32
    %sub3A_297 = vector.broadcast %sub3A_296 : i32 to vector<16xi32>
    %sub3A_298 = arith.subi %add3A_292, %sub3A_297 : vector<16xi32>
    %select_n3A_299 = arith.select %ge3A_295, %sub3A_298, %add3A_292 : vector<16xi1>, vector<16xi32>
    %get3A_300 = arith.constant 160 : index
    %get3A_301 = tpu.vector_load %arg5[%get3A_300] {strides = array<i32>} : memref<25600xi32, #tpu.memory_space<vmem>>, vector<16xi32>,
    %get3A_302 = vector.shape_cast %get3A_301 : vector<16xi32> to vector<16xi32>
    %add3A_303 = arith.constant 200 : i32
    %add3A_304 = arith.addi %mul3A_4, %add3A_303 : i32
    %add3A_305 = arith.constant 2 : i32
    %add3A_306 = arith.addi %add3A_304, %add3A_305 : i32
    %ne3A_307 = arith.constant 0 : i32
    %ne3A_308 = vector.broadcast %ne3A_307 : i32 to vector<16xi32>
    %ne3A_309 = arith.cmpi ne, %get3A_302, %ne3A_308 : vector<16xi32>
    %add3A_310 = vector.broadcast %mul3A_4 : i32 to vector<16xi32>
    %add3A_311 = arith.addi %add3A_310, %select_n3A_299 : vector<16xi32>
    %broadcast_in_dim3A_312 = vector.broadcast %add3A_306 : i32 to vector<16xi32>
    %select_n3A_313 = arith.select %ne3A_309, %broadcast_in_dim3A_312, %add3A_311 : vector<16xi1>, vector<16xi32>
    %swap3A_314 = arith.constant 32 : index
    %swap3A_315 = tpu.vector_load %arg7[%swap3A_314] {strides = array<i32>} : memref<128xi32, #tpu.memory_space<vmem>>, vector<16xi32>,
    %swap3A_316 = vector.shape_cast %swap3A_315 : vector<16xi32> to vector<16xi32>
    %swap3A_317 = vector.shape_cast %select_n3A_313 : vector<16xi32> to vector<16xi32>
    tpu.vector_store %arg7[%swap3A_314], %swap3A_317 {strides = array<i32>} : memref<128xi32, #tpu.memory_space<vmem>>, vector<16xi32>,
    %add3A_318 = arith.constant 16 : i32
    %add3A_319 = vector.broadcast %add3A_318 : i32 to vector<16xi32>
    %add3A_320 = arith.addi %select_n3A_299, %add3A_319 : vector<16xi32>
    %ge3A_321 = arith.constant 200 : i32
    %ge3A_322 = vector.broadcast %ge3A_321 : i32 to vector<16xi32>
    %ge3A_323 = arith.cmpi sge, %add3A_320, %ge3A_322 : vector<16xi32>
    %sub3A_324 = arith.constant 200 : i32
    %sub3A_325 = vector.broadcast %sub3A_324 : i32 to vector<16xi32>
    %sub3A_326 = arith.subi %add3A_320, %sub3A_325 : vector<16xi32>
    %select_n3A_327 = arith.select %ge3A_323, %sub3A_326, %add3A_320 : vector<16xi1>, vector<16xi32>
    %get3A_328 = arith.constant 176 : index
    %get3A_329 = tpu.vector_load %arg5[%get3A_328] {strides = array<i32>} : memref<25600xi32, #tpu.memory_space<vmem>>, vector<16xi32>,
    %get3A_330 = vector.shape_cast %get3A_329 : vector<16xi32> to vector<16xi32>
    %add3A_331 = arith.constant 200 : i32
    %add3A_332 = arith.addi %mul3A_4, %add3A_331 : i32
    %add3A_333 = arith.constant 3 : i32
    %add3A_334 = arith.addi %add3A_332, %add3A_333 : i32
    %ne3A_335 = arith.constant 0 : i32
    %ne3A_336 = vector.broadcast %ne3A_335 : i32 to vector<16xi32>
    %ne3A_337 = arith.cmpi ne, %get3A_330, %ne3A_336 : vector<16xi32>
    %add3A_338 = vector.broadcast %mul3A_4 : i32 to vector<16xi32>
    %add3A_339 = arith.addi %add3A_338, %select_n3A_327 : vector<16xi32>
    %broadcast_in_dim3A_340 = vector.broadcast %add3A_334 : i32 to vector<16xi32>
    %select_n3A_341 = arith.select %ne3A_337, %broadcast_in_dim3A_340, %add3A_339 : vector<16xi1>, vector<16xi32>
    %swap3A_342 = arith.constant 48 : index
    %swap3A_343 = tpu.vector_load %arg7[%swap3A_342] {strides = array<i32>} : memref<128xi32, #tpu.memory_space<vmem>>, vector<16xi32>,
    %swap3A_344 = vector.shape_cast %swap3A_343 : vector<16xi32> to vector<16xi32>
    %swap3A_345 = vector.shape_cast %select_n3A_341 : vector<16xi32> to vector<16xi32>
    tpu.vector_store %arg7[%swap3A_342], %swap3A_345 {strides = array<i32>} : memref<128xi32, #tpu.memory_space<vmem>>, vector<16xi32>,
    %add3A_346 = arith.constant 16 : i32
    %add3A_347 = vector.broadcast %add3A_346 : i32 to vector<16xi32>
    %add3A_348 = arith.addi %select_n3A_327, %add3A_347 : vector<16xi32>
    %ge3A_349 = arith.constant 200 : i32
    %ge3A_350 = vector.broadcast %ge3A_349 : i32 to vector<16xi32>
    %ge3A_351 = arith.cmpi sge, %add3A_348, %ge3A_350 : vector<16xi32>
    %sub3A_352 = arith.constant 200 : i32
    %sub3A_353 = vector.broadcast %sub3A_352 : i32 to vector<16xi32>
    %sub3A_354 = arith.subi %add3A_348, %sub3A_353 : vector<16xi32>
    %select_n3A_355 = arith.select %ge3A_351, %sub3A_354, %add3A_348 : vector<16xi1>, vector<16xi32>
    %get3A_356 = arith.constant 192 : index
    %get3A_357 = tpu.vector_load %arg5[%get3A_356] {strides = array<i32>} : memref<25600xi32, #tpu.memory_space<vmem>>, vector<16xi32>,
    %get3A_358 = vector.shape_cast %get3A_357 : vector<16xi32> to vector<16xi32>
    %add3A_359 = arith.constant 200 : i32
    %add3A_360 = arith.addi %mul3A_4, %add3A_359 : i32
    %add3A_361 = arith.constant 4 : i32
    %add3A_362 = arith.addi %add3A_360, %add3A_361 : i32
    %ne3A_363 = arith.constant 0 : i32
    %ne3A_364 = vector.broadcast %ne3A_363 : i32 to vector<16xi32>
    %ne3A_365 = arith.cmpi ne, %get3A_358, %ne3A_364 : vector<16xi32>
    %add3A_366 = vector.broadcast %mul3A_4 : i32 to vector<16xi32>
    %add3A_367 = arith.addi %add3A_366, %select_n3A_355 : vector<16xi32>
    %broadcast_in_dim3A_368 = vector.broadcast %add3A_362 : i32 to vector<16xi32>
    %select_n3A_369 = arith.select %ne3A_365, %broadcast_in_dim3A_368, %add3A_367 : vector<16xi1>, vector<16xi32>
    %swap3A_370 = arith.constant 64 : index
    %swap3A_371 = tpu.vector_load %arg7[%swap3A_370] {strides = array<i32>} : memref<128xi32, #tpu.memory_space<vmem>>, vector<16xi32>,
    %swap3A_372 = vector.shape_cast %swap3A_371 : vector<16xi32> to vector<16xi32>
    %swap3A_373 = vector.shape_cast %select_n3A_369 : vector<16xi32> to vector<16xi32>
    tpu.vector_store %arg7[%swap3A_370], %swap3A_373 {strides = array<i32>} : memref<128xi32, #tpu.memory_space<vmem>>, vector<16xi32>,
    %add3A_374 = arith.constant 16 : i32
    %add3A_375 = vector.broadcast %add3A_374 : i32 to vector<16xi32>
    %add3A_376 = arith.addi %select_n3A_355, %add3A_375 : vector<16xi32>
    %ge3A_377 = arith.constant 200 : i32
    %ge3A_378 = vector.broadcast %ge3A_377 : i32 to vector<16xi32>
    %ge3A_379 = arith.cmpi sge, %add3A_376, %ge3A_378 : vector<16xi32>
    %sub3A_380 = arith.constant 200 : i32
    %sub3A_381 = vector.broadcast %sub3A_380 : i32 to vector<16xi32>
    %sub3A_382 = arith.subi %add3A_376, %sub3A_381 : vector<16xi32>
    %select_n3A_383 = arith.select %ge3A_379, %sub3A_382, %add3A_376 : vector<16xi1>, vector<16xi32>
    %get3A_384 = arith.constant 208 : index
    %get3A_385 = tpu.vector_load %arg5[%get3A_384] {strides = array<i32>} : memref<25600xi32, #tpu.memory_space<vmem>>, vector<16xi32>,
    %get3A_386 = vector.shape_cast %get3A_385 : vector<16xi32> to vector<16xi32>
    %add3A_387 = arith.constant 200 : i32
    %add3A_388 = arith.addi %mul3A_4, %add3A_387 : i32
    %add3A_389 = arith.constant 5 : i32
    %add3A_390 = arith.addi %add3A_388, %add3A_389 : i32
    %ne3A_391 = arith.constant 0 : i32
    %ne3A_392 = vector.broadcast %ne3A_391 : i32 to vector<16xi32>
    %ne3A_393 = arith.cmpi ne, %get3A_386, %ne3A_392 : vector<16xi32>
    %add3A_394 = vector.broadcast %mul3A_4 : i32 to vector<16xi32>
    %add3A_395 = arith.addi %add3A_394, %select_n3A_383 : vector<16xi32>
    %broadcast_in_dim3A_396 = vector.broadcast %add3A_390 : i32 to vector<16xi32>
    %select_n3A_397 = arith.select %ne3A_393, %broadcast_in_dim3A_396, %add3A_395 : vector<16xi1>, vector<16xi32>
    %swap3A_398 = arith.constant 80 : index
    %swap3A_399 = tpu.vector_load %arg7[%swap3A_398] {strides = array<i32>} : memref<128xi32, #tpu.memory_space<vmem>>, vector<16xi32>,
    %swap3A_400 = vector.shape_cast %swap3A_399 : vector<16xi32> to vector<16xi32>
    %swap3A_401 = vector.shape_cast %select_n3A_397 : vector<16xi32> to vector<16xi32>
    tpu.vector_store %arg7[%swap3A_398], %swap3A_401 {strides = array<i32>} : memref<128xi32, #tpu.memory_space<vmem>>, vector<16xi32>,
    %add3A_402 = arith.constant 16 : i32
    %add3A_403 = vector.broadcast %add3A_402 : i32 to vector<16xi32>
    %add3A_404 = arith.addi %select_n3A_383, %add3A_403 : vector<16xi32>
    %ge3A_405 = arith.constant 200 : i32
    %ge3A_406 = vector.broadcast %ge3A_405 : i32 to vector<16xi32>
    %ge3A_407 = arith.cmpi sge, %add3A_404, %ge3A_406 : vector<16xi32>
    %sub3A_408 = arith.constant 200 : i32
    %sub3A_409 = vector.broadcast %sub3A_408 : i32 to vector<16xi32>
    %sub3A_410 = arith.subi %add3A_404, %sub3A_409 : vector<16xi32>
    %select_n3A_411 = arith.select %ge3A_407, %sub3A_410, %add3A_404 : vector<16xi1>, vector<16xi32>
    %get3A_412 = arith.constant 224 : index
    %get3A_413 = tpu.vector_load %arg5[%get3A_412] {strides = array<i32>} : memref<25600xi32, #tpu.memory_space<vmem>>, vector<16xi32>,
    %get3A_414 = vector.shape_cast %get3A_413 : vector<16xi32> to vector<16xi32>
    %add3A_415 = arith.constant 200 : i32
    %add3A_416 = arith.addi %mul3A_4, %add3A_415 : i32
    %add3A_417 = arith.constant 6 : i32
    %add3A_418 = arith.addi %add3A_416, %add3A_417 : i32
    %ne3A_419 = arith.constant 0 : i32
    %ne3A_420 = vector.broadcast %ne3A_419 : i32 to vector<16xi32>
    %ne3A_421 = arith.cmpi ne, %get3A_414, %ne3A_420 : vector<16xi32>
    %add3A_422 = vector.broadcast %mul3A_4 : i32 to vector<16xi32>
    %add3A_423 = arith.addi %add3A_422, %select_n3A_411 : vector<16xi32>
    %broadcast_in_dim3A_424 = vector.broadcast %add3A_418 : i32 to vector<16xi32>
    %select_n3A_425 = arith.select %ne3A_421, %broadcast_in_dim3A_424, %add3A_423 : vector<16xi1>, vector<16xi32>
    %swap3A_426 = arith.constant 96 : index
    %swap3A_427 = tpu.vector_load %arg7[%swap3A_426] {strides = array<i32>} : memref<128xi32, #tpu.memory_space<vmem>>, vector<16xi32>,
    %swap3A_428 = vector.shape_cast %swap3A_427 : vector<16xi32> to vector<16xi32>
    %swap3A_429 = vector.shape_cast %select_n3A_425 : vector<16xi32> to vector<16xi32>
    tpu.vector_store %arg7[%swap3A_426], %swap3A_429 {strides = array<i32>} : memref<128xi32, #tpu.memory_space<vmem>>, vector<16xi32>,
    %add3A_430 = arith.constant 16 : i32
    %add3A_431 = vector.broadcast %add3A_430 : i32 to vector<16xi32>
    %add3A_432 = arith.addi %select_n3A_411, %add3A_431 : vector<16xi32>
    %ge3A_433 = arith.constant 200 : i32
    %ge3A_434 = vector.broadcast %ge3A_433 : i32 to vector<16xi32>
    %ge3A_435 = arith.cmpi sge, %add3A_432, %ge3A_434 : vector<16xi32>
    %sub3A_436 = arith.constant 200 : i32
    %sub3A_437 = vector.broadcast %sub3A_436 : i32 to vector<16xi32>
    %sub3A_438 = arith.subi %add3A_432, %sub3A_437 : vector<16xi32>
    %select_n3A_439 = arith.select %ge3A_435, %sub3A_438, %add3A_432 : vector<16xi1>, vector<16xi32>
    %get3A_440 = arith.constant 240 : index
    %get3A_441 = tpu.vector_load %arg5[%get3A_440] {strides = array<i32>} : memref<25600xi32, #tpu.memory_space<vmem>>, vector<16xi32>,
    %get3A_442 = vector.shape_cast %get3A_441 : vector<16xi32> to vector<16xi32>
    %add3A_443 = arith.constant 200 : i32
    %add3A_444 = arith.addi %mul3A_4, %add3A_443 : i32
    %add3A_445 = arith.constant 7 : i32
    %add3A_446 = arith.addi %add3A_444, %add3A_445 : i32
    %ne3A_447 = arith.constant 0 : i32
    %ne3A_448 = vector.broadcast %ne3A_447 : i32 to vector<16xi32>
    %ne3A_449 = arith.cmpi ne, %get3A_442, %ne3A_448 : vector<16xi32>
    %add3A_450 = vector.broadcast %mul3A_4 : i32 to vector<16xi32>
    %add3A_451 = arith.addi %add3A_450, %select_n3A_439 : vector<16xi32>
    %broadcast_in_dim3A_452 = vector.broadcast %add3A_446 : i32 to vector<16xi32>
    %select_n3A_453 = arith.select %ne3A_449, %broadcast_in_dim3A_452, %add3A_451 : vector<16xi1>, vector<16xi32>
    %swap3A_454 = arith.constant 112 : index
    %swap3A_455 = tpu.vector_load %arg7[%swap3A_454] {strides = array<i32>} : memref<128xi32, #tpu.memory_space<vmem>>, vector<16xi32>,
    %swap3A_456 = vector.shape_cast %swap3A_455 : vector<16xi32> to vector<16xi32>
    %swap3A_457 = vector.shape_cast %select_n3A_453 : vector<16xi32> to vector<16xi32>
    tpu.vector_store %arg7[%swap3A_454], %swap3A_457 {strides = array<i32>} : memref<128xi32, #tpu.memory_space<vmem>>, vector<16xi32>,
    %add3A_458 = arith.constant 16 : i32
    %add3A_459 = vector.broadcast %add3A_458 : i32 to vector<16xi32>
    %add3A_460 = arith.addi %select_n3A_439, %add3A_459 : vector<16xi32>
    %ge3A_461 = arith.constant 200 : i32
    %ge3A_462 = vector.broadcast %ge3A_461 : i32 to vector<16xi32>
    %ge3A_463 = arith.cmpi sge, %add3A_460, %ge3A_462 : vector<16xi32>
    %sub3A_464 = arith.constant 200 : i32
    %sub3A_465 = vector.broadcast %sub3A_464 : i32 to vector<16xi32>
    %sub3A_466 = arith.subi %add3A_460, %sub3A_465 : vector<16xi32>
    %select_n3A_467 = arith.select %ge3A_463, %sub3A_466, %add3A_460 : vector<16xi1>, vector<16xi32>
    %dma_start3A_468 = arith.constant 1 : i32
    %dma_start3A_469 = arith.constant 0 : i32
    %dma_start3A_470 = arith.constant 0 : i32
    %dma_start3A_471 = tpu.memref_slice %arg10[%dma_start3A_468, %dma_start3A_469, %dma_start3A_470] : memref<4x128x128xf32, #tpu.memory_space<vmem>> -> memref<1x128x128xf32, #tpu.memory_space<vmem>>
    %dma_start3A_472 = tpu.memref_squeeze %dma_start3A_471 : memref<1x128x128xf32, #tpu.memory_space<vmem>> -> memref<128x128xf32, #tpu.memory_space<vmem>>
    %dma_start3A_473 = arith.constant 0 : i32
    %dma_start3A_474 = arith.constant 0 : i32
    %dma_start3A_475 = tpu.memref_slice %arg11[%dma_start3A_473, %dma_start3A_474] : memref<3328x128xf32, #tpu.memory_space<vmem_shared>> -> memref<3328x128xf32, #tpu.memory_space<vmem_shared>>
    tpu.enqueue_indirect_dma source(%dma_start3A_475 : memref<3328x128xf32, #tpu.memory_space<vmem_shared>>) target(%dma_start3A_472 : memref<128x128xf32, #tpu.memory_space<vmem>>) offsets(%arg7 : memref<128xi32, #tpu.memory_space<vmem>>) semaphore(%arg13 : memref<!tpu.dma_semaphore, #tpu.memory_space<semaphore_mem>>)
    %scan3A = arith.constant 0 : i32
    %scan3A_476 = arith.constant 50 : i32
    %scan3A_477 = arith.addi %scan3A, %scan3A_476 : i32
    %scan3A_478 = arith.constant 1 : i32
    %scan3A_479 = scf.for %scan3A_507 = %scan3A to %scan3A_477 step %scan3A_478 iter_args(%scan3A_508 = %select_n3A_467) -> (vector<16xi32>)  : i32 {
      %mul3A_509 = arith.constant 4 : i32
      %mul3A_510 = arith.muli %mul3A_509, %scan3A_507 : i32
      %add3A_511 = arith.constant 0 : i32
      %add3A_512 = arith.addi %mul3A_510, %add3A_511 : i32
      %ge3A_513 = arith.constant 2 : i32
      %ge3A_514 = arith.cmpi sge, %add3A_512, %ge3A_513 : i32
      %convert_element_type3A = arith.extui %ge3A_514 : i1 to i32
      %cond3A = arith.constant 0 : i32
      %cond3A_515 = arith.cmpi ne, %convert_element_type3A, %cond3A : i32
      scf.if %cond3A_515 {
        %dma_wait3A_706 = arith.constant 2 : i32
        %dma_wait3A_707 = arith.constant 0 : i32
        %dma_wait3A_708 = arith.constant 0 : i32
        %dma_wait3A_709 = tpu.memref_slice %arg10[%dma_wait3A_706, %dma_wait3A_707, %dma_wait3A_708] : memref<4x128x128xf32, #tpu.memory_space<vmem>> -> memref<1x128x128xf32, #tpu.memory_space<vmem>>
        %dma_wait3A_710 = tpu.memref_squeeze %dma_wait3A_709 : memref<1x128x128xf32, #tpu.memory_space<vmem>> -> memref<128x128xf32, #tpu.memory_space<vmem>>
        %dma_wait3A_711 = arith.constant 0 : i32
        %dma_wait3A_712 = tpu.memref_slice %arg4[%mul3A_2, %dma_wait3A_711] : memref<819200x128xf32, #tpu.memory_space<hbm>> -> memref<128x128xf32, #tpu.memory_space<hbm>>
        %dma_wait3A_713 = arith.constant 0 : i32
        %dma_wait3A_714 = tpu.memref_slice %arg4[%mul3A_2, %dma_wait3A_713] : memref<819200x128xf32, #tpu.memory_space<hbm>> -> memref<128x128xf32, #tpu.memory_space<hbm>>
        %dma_wait3A_715 = arith.constant 0 : i32
        %dma_wait3A_716 = arith.constant 0 : i32
        %dma_wait3A_717 = tpu.memref_slice %arg10[%dma_wait3A_706, %dma_wait3A_715, %dma_wait3A_716] : memref<4x128x128xf32, #tpu.memory_space<vmem>> -> memref<1x128x128xf32, #tpu.memory_space<vmem>>
        %dma_wait3A_718 = tpu.memref_squeeze %dma_wait3A_717 : memref<1x128x128xf32, #tpu.memory_space<vmem>> -> memref<128x128xf32, #tpu.memory_space<vmem>>
        tpu.wait_dma2 semaphore(%arg18 : memref<!tpu.dma_semaphore, #tpu.memory_space<semaphore_mem>>) src(%dma_wait3A_718 : memref<128x128xf32, #tpu.memory_space<vmem>>) dst(%dma_wait3A_714 : memref<128x128xf32, #tpu.memory_space<hbm>>)
      } else {
      }
      %add3A_516 = arith.constant 2 : i32
      %add3A_517 = arith.addi %add3A_512, %add3A_516 : i32
      %lt3A = arith.constant 200 : i32
      %lt3A_518 = arith.cmpi slt, %add3A_517, %lt3A : i32
      %convert_element_type3A_519 = arith.extui %lt3A_518 : i1 to i32
      %cond3A_520 = arith.constant 0 : i32
      %cond3A_521 = arith.cmpi ne, %convert_element_type3A_519, %cond3A_520 : i32
      scf.if %cond3A_521 {
        %add3A_706 = arith.constant 2 : i32
        %add3A_707 = arith.addi %add3A_512, %add3A_706 : i32
        %mul3A_708 = arith.constant 128 : i32
        %mul3A_709 = arith.muli %add3A_707, %mul3A_708 : i32
        %add3A_710 = arith.constant 0 : i32
        %add3A_711 = arith.addi %mul3A_709, %add3A_710 : i32
        %get3A_712 = arith.index_cast %add3A_711 : i32 to index
        %get3A_713 = tpu.vector_load %arg5[%get3A_712] {strides = array<i32>} : memref<25600xi32, #tpu.memory_space<vmem>>, vector<16xi32>,
        %get3A_714 = vector.shape_cast %get3A_713 : vector<16xi32> to vector<16xi32>
        %add3A_715 = arith.constant 200 : i32
        %add3A_716 = arith.addi %mul3A_4, %add3A_715 : i32
        %add3A_717 = arith.constant 0 : i32
        %add3A_718 = arith.addi %add3A_716, %add3A_717 : i32
        %ne3A_719 = arith.constant 0 : i32
        %ne3A_720 = vector.broadcast %ne3A_719 : i32 to vector<16xi32>
        %ne3A_721 = arith.cmpi ne, %get3A_714, %ne3A_720 : vector<16xi32>
        %add3A_722 = vector.broadcast %mul3A_4 : i32 to vector<16xi32>
        %add3A_723 = arith.addi %add3A_722, %scan3A_508 : vector<16xi32>
        %broadcast_in_dim3A_724 = vector.broadcast %add3A_718 : i32 to vector<16xi32>
        %select_n3A_725 = arith.select %ne3A_721, %broadcast_in_dim3A_724, %add3A_723 : vector<16xi1>, vector<16xi32>
        %swap3A_726 = arith.constant 0 : index
        %swap3A_727 = tpu.vector_load %arg8[%swap3A_726] {strides = array<i32>} : memref<128xi32, #tpu.memory_space<vmem>>, vector<16xi32>,
        %swap3A_728 = vector.shape_cast %swap3A_727 : vector<16xi32> to vector<16xi32>
        %swap3A_729 = vector.shape_cast %select_n3A_725 : vector<16xi32> to vector<16xi32>
        tpu.vector_store %arg8[%swap3A_726], %swap3A_729 {strides = array<i32>} : memref<128xi32, #tpu.memory_space<vmem>>, vector<16xi32>,
        %add3A_730 = arith.constant 16 : i32
        %add3A_731 = vector.broadcast %add3A_730 : i32 to vector<16xi32>
        %add3A_732 = arith.addi %scan3A_508, %add3A_731 : vector<16xi32>
        %ge3A_733 = arith.constant 200 : i32
        %ge3A_734 = vector.broadcast %ge3A_733 : i32 to vector<16xi32>
        %ge3A_735 = arith.cmpi sge, %add3A_732, %ge3A_734 : vector<16xi32>
        %sub3A_736 = arith.constant 200 : i32
        %sub3A_737 = vector.broadcast %sub3A_736 : i32 to vector<16xi32>
        %sub3A_738 = arith.subi %add3A_732, %sub3A_737 : vector<16xi32>
        %select_n3A_739 = arith.select %ge3A_735, %sub3A_738, %add3A_732 : vector<16xi1>, vector<16xi32>
        %add3A_740 = arith.constant 2 : i32
        %add3A_741 = arith.addi %add3A_512, %add3A_740 : i32
        %mul3A_742 = arith.constant 128 : i32
        %mul3A_743 = arith.muli %add3A_741, %mul3A_742 : i32
        %add3A_744 = arith.constant 16 : i32
        %add3A_745 = arith.addi %mul3A_743, %add3A_744 : i32
        %get3A_746 = arith.index_cast %add3A_745 : i32 to index
        %get3A_747 = tpu.vector_load %arg5[%get3A_746] {strides = array<i32>} : memref<25600xi32, #tpu.memory_space<vmem>>, vector<16xi32>,
        %get3A_748 = vector.shape_cast %get3A_747 : vector<16xi32> to vector<16xi32>
        %add3A_749 = arith.constant 200 : i32
        %add3A_750 = arith.addi %mul3A_4, %add3A_749 : i32
        %add3A_751 = arith.constant 1 : i32
        %add3A_752 = arith.addi %add3A_750, %add3A_751 : i32
        %ne3A_753 = arith.constant 0 : i32
        %ne3A_754 = vector.broadcast %ne3A_753 : i32 to vector<16xi32>
        %ne3A_755 = arith.cmpi ne, %get3A_748, %ne3A_754 : vector<16xi32>
        %add3A_756 = vector.broadcast %mul3A_4 : i32 to vector<16xi32>
        %add3A_757 = arith.addi %add3A_756, %select_n3A_739 : vector<16xi32>
        %broadcast_in_dim3A_758 = vector.broadcast %add3A_752 : i32 to vector<16xi32>
        %select_n3A_759 = arith.select %ne3A_755, %broadcast_in_dim3A_758, %add3A_757 : vector<16xi1>, vector<16xi32>
        %swap3A_760 = arith.constant 16 : index
        %swap3A_761 = tpu.vector_load %arg8[%swap3A_760] {strides = array<i32>} : memref<128xi32, #tpu.memory_space<vmem>>, vector<16xi32>,
        %swap3A_762 = vector.shape_cast %swap3A_761 : vector<16xi32> to vector<16xi32>
        %swap3A_763 = vector.shape_cast %select_n3A_759 : vector<16xi32> to vector<16xi32>
        tpu.vector_store %arg8[%swap3A_760], %swap3A_763 {strides = array<i32>} : memref<128xi32, #tpu.memory_space<vmem>>, vector<16xi32>,
        %add3A_764 = arith.constant 16 : i32
        %add3A_765 = vector.broadcast %add3A_764 : i32 to vector<16xi32>
        %add3A_766 = arith.addi %select_n3A_739, %add3A_765 : vector<16xi32>
        %ge3A_767 = arith.constant 200 : i32
        %ge3A_768 = vector.broadcast %ge3A_767 : i32 to vector<16xi32>
        %ge3A_769 = arith.cmpi sge, %add3A_766, %ge3A_768 : vector<16xi32>
        %sub3A_770 = arith.constant 200 : i32
        %sub3A_771 = vector.broadcast %sub3A_770 : i32 to vector<16xi32>
        %sub3A_772 = arith.subi %add3A_766, %sub3A_771 : vector<16xi32>
        %select_n3A_773 = arith.select %ge3A_769, %sub3A_772, %add3A_766 : vector<16xi1>, vector<16xi32>
        %add3A_774 = arith.constant 2 : i32
        %add3A_775 = arith.addi %add3A_512, %add3A_774 : i32
        %mul3A_776 = arith.constant 128 : i32
        %mul3A_777 = arith.muli %add3A_775, %mul3A_776 : i32
        %add3A_778 = arith.constant 32 : i32
        %add3A_779 = arith.addi %mul3A_777, %add3A_778 : i32
        %get3A_780 = arith.index_cast %add3A_779 : i32 to index
        %get3A_781 = tpu.vector_load %arg5[%get3A_780] {strides = array<i32>} : memref<25600xi32, #tpu.memory_space<vmem>>, vector<16xi32>,
        %get3A_782 = vector.shape_cast %get3A_781 : vector<16xi32> to vector<16xi32>
        %add3A_783 = arith.constant 200 : i32
        %add3A_784 = arith.addi %mul3A_4, %add3A_783 : i32
        %add3A_785 = arith.constant 2 : i32
        %add3A_786 = arith.addi %add3A_784, %add3A_785 : i32
        %ne3A_787 = arith.constant 0 : i32
        %ne3A_788 = vector.broadcast %ne3A_787 : i32 to vector<16xi32>
        %ne3A_789 = arith.cmpi ne, %get3A_782, %ne3A_788 : vector<16xi32>
        %add3A_790 = vector.broadcast %mul3A_4 : i32 to vector<16xi32>
        %add3A_791 = arith.addi %add3A_790, %select_n3A_773 : vector<16xi32>
        %broadcast_in_dim3A_792 = vector.broadcast %add3A_786 : i32 to vector<16xi32>
        %select_n3A_793 = arith.select %ne3A_789, %broadcast_in_dim3A_792, %add3A_791 : vector<16xi1>, vector<16xi32>
        %swap3A_794 = arith.constant 32 : index
        %swap3A_795 = tpu.vector_load %arg8[%swap3A_794] {strides = array<i32>} : memref<128xi32, #tpu.memory_space<vmem>>, vector<16xi32>,
        %swap3A_796 = vector.shape_cast %swap3A_795 : vector<16xi32> to vector<16xi32>
        %swap3A_797 = vector.shape_cast %select_n3A_793 : vector<16xi32> to vector<16xi32>
        tpu.vector_store %arg8[%swap3A_794], %swap3A_797 {strides = array<i32>} : memref<128xi32, #tpu.memory_space<vmem>>, vector<16xi32>,
        %add3A_798 = arith.constant 16 : i32
        %add3A_799 = vector.broadcast %add3A_798 : i32 to vector<16xi32>
        %add3A_800 = arith.addi %select_n3A_773, %add3A_799 : vector<16xi32>
        %ge3A_801 = arith.constant 200 : i32
        %ge3A_802 = vector.broadcast %ge3A_801 : i32 to vector<16xi32>
        %ge3A_803 = arith.cmpi sge, %add3A_800, %ge3A_802 : vector<16xi32>
        %sub3A_804 = arith.constant 200 : i32
        %sub3A_805 = vector.broadcast %sub3A_804 : i32 to vector<16xi32>
        %sub3A_806 = arith.subi %add3A_800, %sub3A_805 : vector<16xi32>
        %select_n3A_807 = arith.select %ge3A_803, %sub3A_806, %add3A_800 : vector<16xi1>, vector<16xi32>
        %add3A_808 = arith.constant 2 : i32
        %add3A_809 = arith.addi %add3A_512, %add3A_808 : i32
        %mul3A_810 = arith.constant 128 : i32
        %mul3A_811 = arith.muli %add3A_809, %mul3A_810 : i32
        %add3A_812 = arith.constant 48 : i32
        %add3A_813 = arith.addi %mul3A_811, %add3A_812 : i32
        %get3A_814 = arith.index_cast %add3A_813 : i32 to index
        %get3A_815 = tpu.vector_load %arg5[%get3A_814] {strides = array<i32>} : memref<25600xi32, #tpu.memory_space<vmem>>, vector<16xi32>,
        %get3A_816 = vector.shape_cast %get3A_815 : vector<16xi32> to vector<16xi32>
        %add3A_817 = arith.constant 200 : i32
        %add3A_818 = arith.addi %mul3A_4, %add3A_817 : i32
        %add3A_819 = arith.constant 3 : i32
        %add3A_820 = arith.addi %add3A_818, %add3A_819 : i32
        %ne3A_821 = arith.constant 0 : i32
        %ne3A_822 = vector.broadcast %ne3A_821 : i32 to vector<16xi32>
        %ne3A_823 = arith.cmpi ne, %get3A_816, %ne3A_822 : vector<16xi32>
        %add3A_824 = vector.broadcast %mul3A_4 : i32 to vector<16xi32>
        %add3A_825 = arith.addi %add3A_824, %select_n3A_807 : vector<16xi32>
        %broadcast_in_dim3A_826 = vector.broadcast %add3A_820 : i32 to vector<16xi32>
        %select_n3A_827 = arith.select %ne3A_823, %broadcast_in_dim3A_826, %add3A_825 : vector<16xi1>, vector<16xi32>
        %swap3A_828 = arith.constant 48 : index
        %swap3A_829 = tpu.vector_load %arg8[%swap3A_828] {strides = array<i32>} : memref<128xi32, #tpu.memory_space<vmem>>, vector<16xi32>,
        %swap3A_830 = vector.shape_cast %swap3A_829 : vector<16xi32> to vector<16xi32>
        %swap3A_831 = vector.shape_cast %select_n3A_827 : vector<16xi32> to vector<16xi32>
        tpu.vector_store %arg8[%swap3A_828], %swap3A_831 {strides = array<i32>} : memref<128xi32, #tpu.memory_space<vmem>>, vector<16xi32>,
        %add3A_832 = arith.constant 16 : i32
        %add3A_833 = vector.broadcast %add3A_832 : i32 to vector<16xi32>
        %add3A_834 = arith.addi %select_n3A_807, %add3A_833 : vector<16xi32>
        %ge3A_835 = arith.constant 200 : i32
        %ge3A_836 = vector.broadcast %ge3A_835 : i32 to vector<16xi32>
        %ge3A_837 = arith.cmpi sge, %add3A_834, %ge3A_836 : vector<16xi32>
        %sub3A_838 = arith.constant 200 : i32
        %sub3A_839 = vector.broadcast %sub3A_838 : i32 to vector<16xi32>
        %sub3A_840 = arith.subi %add3A_834, %sub3A_839 : vector<16xi32>
        %select_n3A_841 = arith.select %ge3A_837, %sub3A_840, %add3A_834 : vector<16xi1>, vector<16xi32>
        %add3A_842 = arith.constant 2 : i32
        %add3A_843 = arith.addi %add3A_512, %add3A_842 : i32
        %mul3A_844 = arith.constant 128 : i32
        %mul3A_845 = arith.muli %add3A_843, %mul3A_844 : i32
        %add3A_846 = arith.constant 64 : i32
        %add3A_847 = arith.addi %mul3A_845, %add3A_846 : i32
        %get3A_848 = arith.index_cast %add3A_847 : i32 to index
        %get3A_849 = tpu.vector_load %arg5[%get3A_848] {strides = array<i32>} : memref<25600xi32, #tpu.memory_space<vmem>>, vector<16xi32>,
        %get3A_850 = vector.shape_cast %get3A_849 : vector<16xi32> to vector<16xi32>
        %add3A_851 = arith.constant 200 : i32
        %add3A_852 = arith.addi %mul3A_4, %add3A_851 : i32
        %add3A_853 = arith.constant 4 : i32
        %add3A_854 = arith.addi %add3A_852, %add3A_853 : i32
        %ne3A_855 = arith.constant 0 : i32
        %ne3A_856 = vector.broadcast %ne3A_855 : i32 to vector<16xi32>
        %ne3A_857 = arith.cmpi ne, %get3A_850, %ne3A_856 : vector<16xi32>
        %add3A_858 = vector.broadcast %mul3A_4 : i32 to vector<16xi32>
        %add3A_859 = arith.addi %add3A_858, %select_n3A_841 : vector<16xi32>
        %broadcast_in_dim3A_860 = vector.broadcast %add3A_854 : i32 to vector<16xi32>
        %select_n3A_861 = arith.select %ne3A_857, %broadcast_in_dim3A_860, %add3A_859 : vector<16xi1>, vector<16xi32>
        %swap3A_862 = arith.constant 64 : index
        %swap3A_863 = tpu.vector_load %arg8[%swap3A_862] {strides = array<i32>} : memref<128xi32, #tpu.memory_space<vmem>>, vector<16xi32>,
        %swap3A_864 = vector.shape_cast %swap3A_863 : vector<16xi32> to vector<16xi32>
        %swap3A_865 = vector.shape_cast %select_n3A_861 : vector<16xi32> to vector<16xi32>
        tpu.vector_store %arg8[%swap3A_862], %swap3A_865 {strides = array<i32>} : memref<128xi32, #tpu.memory_space<vmem>>, vector<16xi32>,
        %add3A_866 = arith.constant 16 : i32
        %add3A_867 = vector.broadcast %add3A_866 : i32 to vector<16xi32>
        %add3A_868 = arith.addi %select_n3A_841, %add3A_867 : vector<16xi32>
        %ge3A_869 = arith.constant 200 : i32
        %ge3A_870 = vector.broadcast %ge3A_869 : i32 to vector<16xi32>
        %ge3A_871 = arith.cmpi sge, %add3A_868, %ge3A_870 : vector<16xi32>
        %sub3A_872 = arith.constant 200 : i32
        %sub3A_873 = vector.broadcast %sub3A_872 : i32 to vector<16xi32>
        %sub3A_874 = arith.subi %add3A_868, %sub3A_873 : vector<16xi32>
        %select_n3A_875 = arith.select %ge3A_871, %sub3A_874, %add3A_868 : vector<16xi1>, vector<16xi32>
        %add3A_876 = arith.constant 2 : i32
        %add3A_877 = arith.addi %add3A_512, %add3A_876 : i32
        %mul3A_878 = arith.constant 128 : i32
        %mul3A_879 = arith.muli %add3A_877, %mul3A_878 : i32
        %add3A_880 = arith.constant 80 : i32
        %add3A_881 = arith.addi %mul3A_879, %add3A_880 : i32
        %get3A_882 = arith.index_cast %add3A_881 : i32 to index
        %get3A_883 = tpu.vector_load %arg5[%get3A_882] {strides = array<i32>} : memref<25600xi32, #tpu.memory_space<vmem>>, vector<16xi32>,
        %get3A_884 = vector.shape_cast %get3A_883 : vector<16xi32> to vector<16xi32>
        %add3A_885 = arith.constant 200 : i32
        %add3A_886 = arith.addi %mul3A_4, %add3A_885 : i32
        %add3A_887 = arith.constant 5 : i32
        %add3A_888 = arith.addi %add3A_886, %add3A_887 : i32
        %ne3A_889 = arith.constant 0 : i32
        %ne3A_890 = vector.broadcast %ne3A_889 : i32 to vector<16xi32>
        %ne3A_891 = arith.cmpi ne, %get3A_884, %ne3A_890 : vector<16xi32>
        %add3A_892 = vector.broadcast %mul3A_4 : i32 to vector<16xi32>
        %add3A_893 = arith.addi %add3A_892, %select_n3A_875 : vector<16xi32>
        %broadcast_in_dim3A_894 = vector.broadcast %add3A_888 : i32 to vector<16xi32>
        %select_n3A_895 = arith.select %ne3A_891, %broadcast_in_dim3A_894, %add3A_893 : vector<16xi1>, vector<16xi32>
        %swap3A_896 = arith.constant 80 : index
        %swap3A_897 = tpu.vector_load %arg8[%swap3A_896] {strides = array<i32>} : memref<128xi32, #tpu.memory_space<vmem>>, vector<16xi32>,
        %swap3A_898 = vector.shape_cast %swap3A_897 : vector<16xi32> to vector<16xi32>
        %swap3A_899 = vector.shape_cast %select_n3A_895 : vector<16xi32> to vector<16xi32>
        tpu.vector_store %arg8[%swap3A_896], %swap3A_899 {strides = array<i32>} : memref<128xi32, #tpu.memory_space<vmem>>, vector<16xi32>,
        %add3A_900 = arith.constant 16 : i32
        %add3A_901 = vector.broadcast %add3A_900 : i32 to vector<16xi32>
        %add3A_902 = arith.addi %select_n3A_875, %add3A_901 : vector<16xi32>
        %ge3A_903 = arith.constant 200 : i32
        %ge3A_904 = vector.broadcast %ge3A_903 : i32 to vector<16xi32>
        %ge3A_905 = arith.cmpi sge, %add3A_902, %ge3A_904 : vector<16xi32>
        %sub3A_906 = arith.constant 200 : i32
        %sub3A_907 = vector.broadcast %sub3A_906 : i32 to vector<16xi32>
        %sub3A_908 = arith.subi %add3A_902, %sub3A_907 : vector<16xi32>
        %select_n3A_909 = arith.select %ge3A_905, %sub3A_908, %add3A_902 : vector<16xi1>, vector<16xi32>
        %add3A_910 = arith.constant 2 : i32
        %add3A_911 = arith.addi %add3A_512, %add3A_910 : i32
        %mul3A_912 = arith.constant 128 : i32
        %mul3A_913 = arith.muli %add3A_911, %mul3A_912 : i32
        %add3A_914 = arith.constant 96 : i32
        %add3A_915 = arith.addi %mul3A_913, %add3A_914 : i32
        %get3A_916 = arith.index_cast %add3A_915 : i32 to index
        %get3A_917 = tpu.vector_load %arg5[%get3A_916] {strides = array<i32>} : memref<25600xi32, #tpu.memory_space<vmem>>, vector<16xi32>,
        %get3A_918 = vector.shape_cast %get3A_917 : vector<16xi32> to vector<16xi32>
        %add3A_919 = arith.constant 200 : i32
        %add3A_920 = arith.addi %mul3A_4, %add3A_919 : i32
        %add3A_921 = arith.constant 6 : i32
        %add3A_922 = arith.addi %add3A_920, %add3A_921 : i32
        %ne3A_923 = arith.constant 0 : i32
        %ne3A_924 = vector.broadcast %ne3A_923 : i32 to vector<16xi32>
        %ne3A_925 = arith.cmpi ne, %get3A_918, %ne3A_924 : vector<16xi32>
        %add3A_926 = vector.broadcast %mul3A_4 : i32 to vector<16xi32>
        %add3A_927 = arith.addi %add3A_926, %select_n3A_909 : vector<16xi32>
        %broadcast_in_dim3A_928 = vector.broadcast %add3A_922 : i32 to vector<16xi32>
        %select_n3A_929 = arith.select %ne3A_925, %broadcast_in_dim3A_928, %add3A_927 : vector<16xi1>, vector<16xi32>
        %swap3A_930 = arith.constant 96 : index
        %swap3A_931 = tpu.vector_load %arg8[%swap3A_930] {strides = array<i32>} : memref<128xi32, #tpu.memory_space<vmem>>, vector<16xi32>,
        %swap3A_932 = vector.shape_cast %swap3A_931 : vector<16xi32> to vector<16xi32>
        %swap3A_933 = vector.shape_cast %select_n3A_929 : vector<16xi32> to vector<16xi32>
        tpu.vector_store %arg8[%swap3A_930], %swap3A_933 {strides = array<i32>} : memref<128xi32, #tpu.memory_space<vmem>>, vector<16xi32>,
        %add3A_934 = arith.constant 16 : i32
        %add3A_935 = vector.broadcast %add3A_934 : i32 to vector<16xi32>
        %add3A_936 = arith.addi %select_n3A_909, %add3A_935 : vector<16xi32>
        %ge3A_937 = arith.constant 200 : i32
        %ge3A_938 = vector.broadcast %ge3A_937 : i32 to vector<16xi32>
        %ge3A_939 = arith.cmpi sge, %add3A_936, %ge3A_938 : vector<16xi32>
        %sub3A_940 = arith.constant 200 : i32
        %sub3A_941 = vector.broadcast %sub3A_940 : i32 to vector<16xi32>
        %sub3A_942 = arith.subi %add3A_936, %sub3A_941 : vector<16xi32>
        %select_n3A_943 = arith.select %ge3A_939, %sub3A_942, %add3A_936 : vector<16xi1>, vector<16xi32>
        %add3A_944 = arith.constant 2 : i32
        %add3A_945 = arith.addi %add3A_512, %add3A_944 : i32
        %mul3A_946 = arith.constant 128 : i32
        %mul3A_947 = arith.muli %add3A_945, %mul3A_946 : i32
        %add3A_948 = arith.constant 112 : i32
        %add3A_949 = arith.addi %mul3A_947, %add3A_948 : i32
        %get3A_950 = arith.index_cast %add3A_949 : i32 to index
        %get3A_951 = tpu.vector_load %arg5[%get3A_950] {strides = array<i32>} : memref<25600xi32, #tpu.memory_space<vmem>>, vector<16xi32>,
        %get3A_952 = vector.shape_cast %get3A_951 : vector<16xi32> to vector<16xi32>
        %add3A_953 = arith.constant 200 : i32
        %add3A_954 = arith.addi %mul3A_4, %add3A_953 : i32
        %add3A_955 = arith.constant 7 : i32
        %add3A_956 = arith.addi %add3A_954, %add3A_955 : i32
        %ne3A_957 = arith.constant 0 : i32
        %ne3A_958 = vector.broadcast %ne3A_957 : i32 to vector<16xi32>
        %ne3A_959 = arith.cmpi ne, %get3A_952, %ne3A_958 : vector<16xi32>
        %add3A_960 = vector.broadcast %mul3A_4 : i32 to vector<16xi32>
        %add3A_961 = arith.addi %add3A_960, %select_n3A_943 : vector<16xi32>
        %broadcast_in_dim3A_962 = vector.broadcast %add3A_956 : i32 to vector<16xi32>
        %select_n3A_963 = arith.select %ne3A_959, %broadcast_in_dim3A_962, %add3A_961 : vector<16xi1>, vector<16xi32>
        %swap3A_964 = arith.constant 112 : index
        %swap3A_965 = tpu.vector_load %arg8[%swap3A_964] {strides = array<i32>} : memref<128xi32, #tpu.memory_space<vmem>>, vector<16xi32>,
        %swap3A_966 = vector.shape_cast %swap3A_965 : vector<16xi32> to vector<16xi32>
        %swap3A_967 = vector.shape_cast %select_n3A_963 : vector<16xi32> to vector<16xi32>
        tpu.vector_store %arg8[%swap3A_964], %swap3A_967 {strides = array<i32>} : memref<128xi32, #tpu.memory_space<vmem>>, vector<16xi32>,
        %add3A_968 = arith.constant 16 : i32
        %add3A_969 = vector.broadcast %add3A_968 : i32 to vector<16xi32>
        %add3A_970 = arith.addi %select_n3A_943, %add3A_969 : vector<16xi32>
        %ge3A_971 = arith.constant 200 : i32
        %ge3A_972 = vector.broadcast %ge3A_971 : i32 to vector<16xi32>
        %ge3A_973 = arith.cmpi sge, %add3A_970, %ge3A_972 : vector<16xi32>
        %sub3A_974 = arith.constant 200 : i32
        %sub3A_975 = vector.broadcast %sub3A_974 : i32 to vector<16xi32>
        %sub3A_976 = arith.subi %add3A_970, %sub3A_975 : vector<16xi32>
        %select_n3A_977 = arith.select %ge3A_973, %sub3A_976, %add3A_970 : vector<16xi1>, vector<16xi32>
        %add3A_978 = arith.constant 2 : i32
        %add3A_979 = arith.addi %add3A_512, %add3A_978 : i32
        %dma_start3A_980 = arith.constant 2 : i32
        %dma_start3A_981 = arith.constant 0 : i32
        %dma_start3A_982 = arith.constant 0 : i32
        %dma_start3A_983 = tpu.memref_slice %arg10[%dma_start3A_980, %dma_start3A_981, %dma_start3A_982] : memref<4x128x128xf32, #tpu.memory_space<vmem>> -> memref<1x128x128xf32, #tpu.memory_space<vmem>>
        %dma_start3A_984 = tpu.memref_squeeze %dma_start3A_983 : memref<1x128x128xf32, #tpu.memory_space<vmem>> -> memref<128x128xf32, #tpu.memory_space<vmem>>
        %dma_start3A_985 = arith.constant 0 : i32
        %dma_start3A_986 = arith.constant 0 : i32
        %dma_start3A_987 = tpu.memref_slice %arg11[%dma_start3A_985, %dma_start3A_986] : memref<3328x128xf32, #tpu.memory_space<vmem_shared>> -> memref<3328x128xf32, #tpu.memory_space<vmem_shared>>
        tpu.enqueue_indirect_dma source(%dma_start3A_987 : memref<3328x128xf32, #tpu.memory_space<vmem_shared>>) target(%dma_start3A_984 : memref<128x128xf32, #tpu.memory_space<vmem>>) offsets(%arg8 : memref<128xi32, #tpu.memory_space<vmem>>) semaphore(%arg14 : memref<!tpu.dma_semaphore, #tpu.memory_space<semaphore_mem>>)
      } else {
      }
      %dma_wait3A_522 = arith.constant 0 : i32
      %dma_wait3A_523 = arith.constant 0 : i32
      %dma_wait3A_524 = arith.constant 0 : i32
      %dma_wait3A_525 = tpu.memref_slice %arg10[%dma_wait3A_522, %dma_wait3A_523, %dma_wait3A_524] : memref<4x128x128xf32, #tpu.memory_space<vmem>> -> memref<1x128x128xf32, #tpu.memory_space<vmem>>
      %dma_wait3A_526 = tpu.memref_squeeze %dma_wait3A_525 : memref<1x128x128xf32, #tpu.memory_space<vmem>> -> memref<128x128xf32, #tpu.memory_space<vmem>>
      %dma_wait3A_527 = arith.constant 0 : i32
      %dma_wait3A_528 = arith.constant 0 : i32
      %dma_wait3A_529 = tpu.memref_slice %arg3[%dma_wait3A_527, %dma_wait3A_528] : memref<6656x128xf32, #tpu.memory_space<hbm>> -> memref<6656x128xf32, #tpu.memory_space<hbm>>
      tpu.wait_indirect_dma semaphore(%arg12 : memref<!tpu.dma_semaphore, #tpu.memory_space<semaphore_mem>>) src(%dma_wait3A_529 : memref<6656x128xf32, #tpu.memory_space<hbm>>) dst(%dma_wait3A_526 : memref<128x128xf32, #tpu.memory_space<vmem>>)
      %mul3A_530 = arith.constant 128 : i32
      %mul3A_531 = arith.muli %add3A_512, %mul3A_530 : i32
      %add3A_532 = arith.addi %mul3A_2, %mul3A_531 : i32
      %dma_start3A_533 = arith.constant 0 : i32
      %dma_start3A_534 = arith.constant 0 : i32
      %dma_start3A_535 = arith.constant 0 : i32
      %dma_start3A_536 = tpu.memref_slice %arg10[%dma_start3A_533, %dma_start3A_534, %dma_start3A_535] : memref<4x128x128xf32, #tpu.memory_space<vmem>> -> memref<1x128x128xf32, #tpu.memory_space<vmem>>
      %dma_start3A_537 = tpu.memref_squeeze %dma_start3A_536 : memref<1x128x128xf32, #tpu.memory_space<vmem>> -> memref<128x128xf32, #tpu.memory_space<vmem>>
      %dma_start3A_538 = arith.constant 0 : i32
      %dma_start3A_539 = tpu.memref_slice %arg4[%add3A_532, %dma_start3A_538] : memref<819200x128xf32, #tpu.memory_space<hbm>> -> memref<128x128xf32, #tpu.memory_space<hbm>>
      %dma_start3A_540 = arith.constant 0 : i32
      %dma_start3A_541 = tpu.memref_slice %arg4[%add3A_532, %dma_start3A_540] : memref<819200x128xf32, #tpu.memory_space<hbm>> -> memref<128x128xf32, #tpu.memory_space<hbm>>
      %dma_start3A_542 = arith.constant 0 : i32
      %dma_start3A_543 = arith.constant 0 : i32
      %dma_start3A_544 = tpu.memref_slice %arg10[%dma_start3A_533, %dma_start3A_542, %dma_start3A_543] : memref<4x128x128xf32, #tpu.memory_space<vmem>> -> memref<1x128x128xf32, #tpu.memory_space<vmem>>
      %dma_start3A_545 = tpu.memref_squeeze %dma_start3A_544 : memref<1x128x128xf32, #tpu.memory_space<vmem>> -> memref<128x128xf32, #tpu.memory_space<vmem>>
      tpu.enqueue_dma source(%dma_start3A_545 : memref<128x128xf32, #tpu.memory_space<vmem>>) target(%dma_start3A_541 : memref<128x128xf32, #tpu.memory_space<hbm>>) target_semaphore(%arg16 : memref<!tpu.dma_semaphore, #tpu.memory_space<semaphore_mem>>)
      %add3A_546 = arith.constant 128 : i32
      %add3A_547 = vector.broadcast %add3A_546 : i32 to vector<16xi32>
      %add3A_548 = arith.addi %scan3A_508, %add3A_547 : vector<16xi32>
      %ge3A_549 = arith.constant 200 : i32
      %ge3A_550 = vector.broadcast %ge3A_549 : i32 to vector<16xi32>
      %ge3A_551 = arith.cmpi sge, %add3A_548, %ge3A_550 : vector<16xi32>
      %sub3A_552 = arith.constant 200 : i32
      %sub3A_553 = vector.broadcast %sub3A_552 : i32 to vector<16xi32>
      %sub3A_554 = arith.subi %add3A_548, %sub3A_553 : vector<16xi32>
      %select_n3A_555 = arith.select %ge3A_551, %sub3A_554, %add3A_548 : vector<16xi1>, vector<16xi32>
      %mul3A_556 = arith.constant 4 : i32
      %mul3A_557 = arith.muli %mul3A_556, %scan3A_507 : i32
      %add3A_558 = arith.constant 1 : i32
      %add3A_559 = arith.addi %mul3A_557, %add3A_558 : i32
      %ge3A_560 = arith.constant 2 : i32
      %ge3A_561 = arith.cmpi sge, %add3A_559, %ge3A_560 : i32
      %convert_element_type3A_562 = arith.extui %ge3A_561 : i1 to i32
      %cond3A_563 = arith.constant 0 : i32
      %cond3A_564 = arith.cmpi ne, %convert_element_type3A_562, %cond3A_563 : i32
      scf.if %cond3A_564 {
        %dma_wait3A_706 = arith.constant 3 : i32
        %dma_wait3A_707 = arith.constant 0 : i32
        %dma_wait3A_708 = arith.constant 0 : i32
        %dma_wait3A_709 = tpu.memref_slice %arg10[%dma_wait3A_706, %dma_wait3A_707, %dma_wait3A_708] : memref<4x128x128xf32, #tpu.memory_space<vmem>> -> memref<1x128x128xf32, #tpu.memory_space<vmem>>
        %dma_wait3A_710 = tpu.memref_squeeze %dma_wait3A_709 : memref<1x128x128xf32, #tpu.memory_space<vmem>> -> memref<128x128xf32, #tpu.memory_space<vmem>>
        %dma_wait3A_711 = arith.constant 0 : i32
        %dma_wait3A_712 = tpu.memref_slice %arg4[%mul3A_2, %dma_wait3A_711] : memref<819200x128xf32, #tpu.memory_space<hbm>> -> memref<128x128xf32, #tpu.memory_space<hbm>>
        %dma_wait3A_713 = arith.constant 0 : i32
        %dma_wait3A_714 = tpu.memref_slice %arg4[%mul3A_2, %dma_wait3A_713] : memref<819200x128xf32, #tpu.memory_space<hbm>> -> memref<128x128xf32, #tpu.memory_space<hbm>>
        %dma_wait3A_715 = arith.constant 0 : i32
        %dma_wait3A_716 = arith.constant 0 : i32
        %dma_wait3A_717 = tpu.memref_slice %arg10[%dma_wait3A_706, %dma_wait3A_715, %dma_wait3A_716] : memref<4x128x128xf32, #tpu.memory_space<vmem>> -> memref<1x128x128xf32, #tpu.memory_space<vmem>>
        %dma_wait3A_718 = tpu.memref_squeeze %dma_wait3A_717 : memref<1x128x128xf32, #tpu.memory_space<vmem>> -> memref<128x128xf32, #tpu.memory_space<vmem>>
        tpu.wait_dma2 semaphore(%arg19 : memref<!tpu.dma_semaphore, #tpu.memory_space<semaphore_mem>>) src(%dma_wait3A_718 : memref<128x128xf32, #tpu.memory_space<vmem>>) dst(%dma_wait3A_714 : memref<128x128xf32, #tpu.memory_space<hbm>>)
      } else {
      }
      %add3A_565 = arith.constant 2 : i32
      %add3A_566 = arith.addi %add3A_559, %add3A_565 : i32
      %lt3A_567 = arith.constant 200 : i32
      %lt3A_568 = arith.cmpi slt, %add3A_566, %lt3A_567 : i32
      %convert_element_type3A_569 = arith.extui %lt3A_568 : i1 to i32
      %cond3A_570 = arith.constant 0 : i32
      %cond3A_571 = arith.cmpi ne, %convert_element_type3A_569, %cond3A_570 : i32
      scf.if %cond3A_571 {
        %add3A_706 = arith.constant 2 : i32
        %add3A_707 = arith.addi %add3A_559, %add3A_706 : i32
        %mul3A_708 = arith.constant 128 : i32
        %mul3A_709 = arith.muli %add3A_707, %mul3A_708 : i32
        %add3A_710 = arith.constant 0 : i32
        %add3A_711 = arith.addi %mul3A_709, %add3A_710 : i32
        %get3A_712 = arith.index_cast %add3A_711 : i32 to index
        %get3A_713 = tpu.vector_load %arg5[%get3A_712] {strides = array<i32>} : memref<25600xi32, #tpu.memory_space<vmem>>, vector<16xi32>,
        %get3A_714 = vector.shape_cast %get3A_713 : vector<16xi32> to vector<16xi32>
        %add3A_715 = arith.constant 200 : i32
        %add3A_716 = arith.addi %mul3A_4, %add3A_715 : i32
        %add3A_717 = arith.constant 0 : i32
        %add3A_718 = arith.addi %add3A_716, %add3A_717 : i32
        %ne3A_719 = arith.constant 0 : i32
        %ne3A_720 = vector.broadcast %ne3A_719 : i32 to vector<16xi32>
        %ne3A_721 = arith.cmpi ne, %get3A_714, %ne3A_720 : vector<16xi32>
        %add3A_722 = vector.broadcast %mul3A_4 : i32 to vector<16xi32>
        %add3A_723 = arith.addi %add3A_722, %select_n3A_555 : vector<16xi32>
        %broadcast_in_dim3A_724 = vector.broadcast %add3A_718 : i32 to vector<16xi32>
        %select_n3A_725 = arith.select %ne3A_721, %broadcast_in_dim3A_724, %add3A_723 : vector<16xi1>, vector<16xi32>
        %swap3A_726 = arith.constant 0 : index
        %swap3A_727 = tpu.vector_load %arg9[%swap3A_726] {strides = array<i32>} : memref<128xi32, #tpu.memory_space<vmem>>, vector<16xi32>,
        %swap3A_728 = vector.shape_cast %swap3A_727 : vector<16xi32> to vector<16xi32>
        %swap3A_729 = vector.shape_cast %select_n3A_725 : vector<16xi32> to vector<16xi32>
        tpu.vector_store %arg9[%swap3A_726], %swap3A_729 {strides = array<i32>} : memref<128xi32, #tpu.memory_space<vmem>>, vector<16xi32>,
        %add3A_730 = arith.constant 16 : i32
        %add3A_731 = vector.broadcast %add3A_730 : i32 to vector<16xi32>
        %add3A_732 = arith.addi %select_n3A_555, %add3A_731 : vector<16xi32>
        %ge3A_733 = arith.constant 200 : i32
        %ge3A_734 = vector.broadcast %ge3A_733 : i32 to vector<16xi32>
        %ge3A_735 = arith.cmpi sge, %add3A_732, %ge3A_734 : vector<16xi32>
        %sub3A_736 = arith.constant 200 : i32
        %sub3A_737 = vector.broadcast %sub3A_736 : i32 to vector<16xi32>
        %sub3A_738 = arith.subi %add3A_732, %sub3A_737 : vector<16xi32>
        %select_n3A_739 = arith.select %ge3A_735, %sub3A_738, %add3A_732 : vector<16xi1>, vector<16xi32>
        %add3A_740 = arith.constant 2 : i32
        %add3A_741 = arith.addi %add3A_559, %add3A_740 : i32
        %mul3A_742 = arith.constant 128 : i32
        %mul3A_743 = arith.muli %add3A_741, %mul3A_742 : i32
        %add3A_744 = arith.constant 16 : i32
        %add3A_745 = arith.addi %mul3A_743, %add3A_744 : i32
        %get3A_746 = arith.index_cast %add3A_745 : i32 to index
        %get3A_747 = tpu.vector_load %arg5[%get3A_746] {strides = array<i32>} : memref<25600xi32, #tpu.memory_space<vmem>>, vector<16xi32>,
        %get3A_748 = vector.shape_cast %get3A_747 : vector<16xi32> to vector<16xi32>
        %add3A_749 = arith.constant 200 : i32
        %add3A_750 = arith.addi %mul3A_4, %add3A_749 : i32
        %add3A_751 = arith.constant 1 : i32
        %add3A_752 = arith.addi %add3A_750, %add3A_751 : i32
        %ne3A_753 = arith.constant 0 : i32
        %ne3A_754 = vector.broadcast %ne3A_753 : i32 to vector<16xi32>
        %ne3A_755 = arith.cmpi ne, %get3A_748, %ne3A_754 : vector<16xi32>
        %add3A_756 = vector.broadcast %mul3A_4 : i32 to vector<16xi32>
        %add3A_757 = arith.addi %add3A_756, %select_n3A_739 : vector<16xi32>
        %broadcast_in_dim3A_758 = vector.broadcast %add3A_752 : i32 to vector<16xi32>
        %select_n3A_759 = arith.select %ne3A_755, %broadcast_in_dim3A_758, %add3A_757 : vector<16xi1>, vector<16xi32>
        %swap3A_760 = arith.constant 16 : index
        %swap3A_761 = tpu.vector_load %arg9[%swap3A_760] {strides = array<i32>} : memref<128xi32, #tpu.memory_space<vmem>>, vector<16xi32>,
        %swap3A_762 = vector.shape_cast %swap3A_761 : vector<16xi32> to vector<16xi32>
        %swap3A_763 = vector.shape_cast %select_n3A_759 : vector<16xi32> to vector<16xi32>
        tpu.vector_store %arg9[%swap3A_760], %swap3A_763 {strides = array<i32>} : memref<128xi32, #tpu.memory_space<vmem>>, vector<16xi32>,
        %add3A_764 = arith.constant 16 : i32
        %add3A_765 = vector.broadcast %add3A_764 : i32 to vector<16xi32>
        %add3A_766 = arith.addi %select_n3A_739, %add3A_765 : vector<16xi32>
        %ge3A_767 = arith.constant 200 : i32
        %ge3A_768 = vector.broadcast %ge3A_767 : i32 to vector<16xi32>
        %ge3A_769 = arith.cmpi sge, %add3A_766, %ge3A_768 : vector<16xi32>
        %sub3A_770 = arith.constant 200 : i32
        %sub3A_771 = vector.broadcast %sub3A_770 : i32 to vector<16xi32>
        %sub3A_772 = arith.subi %add3A_766, %sub3A_771 : vector<16xi32>
        %select_n3A_773 = arith.select %ge3A_769, %sub3A_772, %add3A_766 : vector<16xi1>, vector<16xi32>
        %add3A_774 = arith.constant 2 : i32
        %add3A_775 = arith.addi %add3A_559, %add3A_774 : i32
        %mul3A_776 = arith.constant 128 : i32
        %mul3A_777 = arith.muli %add3A_775, %mul3A_776 : i32
        %add3A_778 = arith.constant 32 : i32
        %add3A_779 = arith.addi %mul3A_777, %add3A_778 : i32
        %get3A_780 = arith.index_cast %add3A_779 : i32 to index
        %get3A_781 = tpu.vector_load %arg5[%get3A_780] {strides = array<i32>} : memref<25600xi32, #tpu.memory_space<vmem>>, vector<16xi32>,
        %get3A_782 = vector.shape_cast %get3A_781 : vector<16xi32> to vector<16xi32>
        %add3A_783 = arith.constant 200 : i32
        %add3A_784 = arith.addi %mul3A_4, %add3A_783 : i32
        %add3A_785 = arith.constant 2 : i32
        %add3A_786 = arith.addi %add3A_784, %add3A_785 : i32
        %ne3A_787 = arith.constant 0 : i32
        %ne3A_788 = vector.broadcast %ne3A_787 : i32 to vector<16xi32>
        %ne3A_789 = arith.cmpi ne, %get3A_782, %ne3A_788 : vector<16xi32>
        %add3A_790 = vector.broadcast %mul3A_4 : i32 to vector<16xi32>
        %add3A_791 = arith.addi %add3A_790, %select_n3A_773 : vector<16xi32>
        %broadcast_in_dim3A_792 = vector.broadcast %add3A_786 : i32 to vector<16xi32>
        %select_n3A_793 = arith.select %ne3A_789, %broadcast_in_dim3A_792, %add3A_791 : vector<16xi1>, vector<16xi32>
        %swap3A_794 = arith.constant 32 : index
        %swap3A_795 = tpu.vector_load %arg9[%swap3A_794] {strides = array<i32>} : memref<128xi32, #tpu.memory_space<vmem>>, vector<16xi32>,
        %swap3A_796 = vector.shape_cast %swap3A_795 : vector<16xi32> to vector<16xi32>
        %swap3A_797 = vector.shape_cast %select_n3A_793 : vector<16xi32> to vector<16xi32>
        tpu.vector_store %arg9[%swap3A_794], %swap3A_797 {strides = array<i32>} : memref<128xi32, #tpu.memory_space<vmem>>, vector<16xi32>,
        %add3A_798 = arith.constant 16 : i32
        %add3A_799 = vector.broadcast %add3A_798 : i32 to vector<16xi32>
        %add3A_800 = arith.addi %select_n3A_773, %add3A_799 : vector<16xi32>
        %ge3A_801 = arith.constant 200 : i32
        %ge3A_802 = vector.broadcast %ge3A_801 : i32 to vector<16xi32>
        %ge3A_803 = arith.cmpi sge, %add3A_800, %ge3A_802 : vector<16xi32>
        %sub3A_804 = arith.constant 200 : i32
        %sub3A_805 = vector.broadcast %sub3A_804 : i32 to vector<16xi32>
        %sub3A_806 = arith.subi %add3A_800, %sub3A_805 : vector<16xi32>
        %select_n3A_807 = arith.select %ge3A_803, %sub3A_806, %add3A_800 : vector<16xi1>, vector<16xi32>
        %add3A_808 = arith.constant 2 : i32
        %add3A_809 = arith.addi %add3A_559, %add3A_808 : i32
        %mul3A_810 = arith.constant 128 : i32
        %mul3A_811 = arith.muli %add3A_809, %mul3A_810 : i32
        %add3A_812 = arith.constant 48 : i32
        %add3A_813 = arith.addi %mul3A_811, %add3A_812 : i32
        %get3A_814 = arith.index_cast %add3A_813 : i32 to index
        %get3A_815 = tpu.vector_load %arg5[%get3A_814] {strides = array<i32>} : memref<25600xi32, #tpu.memory_space<vmem>>, vector<16xi32>,
        %get3A_816 = vector.shape_cast %get3A_815 : vector<16xi32> to vector<16xi32>
        %add3A_817 = arith.constant 200 : i32
        %add3A_818 = arith.addi %mul3A_4, %add3A_817 : i32
        %add3A_819 = arith.constant 3 : i32
        %add3A_820 = arith.addi %add3A_818, %add3A_819 : i32
        %ne3A_821 = arith.constant 0 : i32
        %ne3A_822 = vector.broadcast %ne3A_821 : i32 to vector<16xi32>
        %ne3A_823 = arith.cmpi ne, %get3A_816, %ne3A_822 : vector<16xi32>
        %add3A_824 = vector.broadcast %mul3A_4 : i32 to vector<16xi32>
        %add3A_825 = arith.addi %add3A_824, %select_n3A_807 : vector<16xi32>
        %broadcast_in_dim3A_826 = vector.broadcast %add3A_820 : i32 to vector<16xi32>
        %select_n3A_827 = arith.select %ne3A_823, %broadcast_in_dim3A_826, %add3A_825 : vector<16xi1>, vector<16xi32>
        %swap3A_828 = arith.constant 48 : index
        %swap3A_829 = tpu.vector_load %arg9[%swap3A_828] {strides = array<i32>} : memref<128xi32, #tpu.memory_space<vmem>>, vector<16xi32>,
        %swap3A_830 = vector.shape_cast %swap3A_829 : vector<16xi32> to vector<16xi32>
        %swap3A_831 = vector.shape_cast %select_n3A_827 : vector<16xi32> to vector<16xi32>
        tpu.vector_store %arg9[%swap3A_828], %swap3A_831 {strides = array<i32>} : memref<128xi32, #tpu.memory_space<vmem>>, vector<16xi32>,
        %add3A_832 = arith.constant 16 : i32
        %add3A_833 = vector.broadcast %add3A_832 : i32 to vector<16xi32>
        %add3A_834 = arith.addi %select_n3A_807, %add3A_833 : vector<16xi32>
        %ge3A_835 = arith.constant 200 : i32
        %ge3A_836 = vector.broadcast %ge3A_835 : i32 to vector<16xi32>
        %ge3A_837 = arith.cmpi sge, %add3A_834, %ge3A_836 : vector<16xi32>
        %sub3A_838 = arith.constant 200 : i32
        %sub3A_839 = vector.broadcast %sub3A_838 : i32 to vector<16xi32>
        %sub3A_840 = arith.subi %add3A_834, %sub3A_839 : vector<16xi32>
        %select_n3A_841 = arith.select %ge3A_837, %sub3A_840, %add3A_834 : vector<16xi1>, vector<16xi32>
        %add3A_842 = arith.constant 2 : i32
        %add3A_843 = arith.addi %add3A_559, %add3A_842 : i32
        %mul3A_844 = arith.constant 128 : i32
        %mul3A_845 = arith.muli %add3A_843, %mul3A_844 : i32
        %add3A_846 = arith.constant 64 : i32
        %add3A_847 = arith.addi %mul3A_845, %add3A_846 : i32
        %get3A_848 = arith.index_cast %add3A_847 : i32 to index
        %get3A_849 = tpu.vector_load %arg5[%get3A_848] {strides = array<i32>} : memref<25600xi32, #tpu.memory_space<vmem>>, vector<16xi32>,
        %get3A_850 = vector.shape_cast %get3A_849 : vector<16xi32> to vector<16xi32>
        %add3A_851 = arith.constant 200 : i32
        %add3A_852 = arith.addi %mul3A_4, %add3A_851 : i32
        %add3A_853 = arith.constant 4 : i32
        %add3A_854 = arith.addi %add3A_852, %add3A_853 : i32
        %ne3A_855 = arith.constant 0 : i32
        %ne3A_856 = vector.broadcast %ne3A_855 : i32 to vector<16xi32>
        %ne3A_857 = arith.cmpi ne, %get3A_850, %ne3A_856 : vector<16xi32>
        %add3A_858 = vector.broadcast %mul3A_4 : i32 to vector<16xi32>
        %add3A_859 = arith.addi %add3A_858, %select_n3A_841 : vector<16xi32>
        %broadcast_in_dim3A_860 = vector.broadcast %add3A_854 : i32 to vector<16xi32>
        %select_n3A_861 = arith.select %ne3A_857, %broadcast_in_dim3A_860, %add3A_859 : vector<16xi1>, vector<16xi32>
        %swap3A_862 = arith.constant 64 : index
        %swap3A_863 = tpu.vector_load %arg9[%swap3A_862] {strides = array<i32>} : memref<128xi32, #tpu.memory_space<vmem>>, vector<16xi32>,
        %swap3A_864 = vector.shape_cast %swap3A_863 : vector<16xi32> to vector<16xi32>
        %swap3A_865 = vector.shape_cast %select_n3A_861 : vector<16xi32> to vector<16xi32>
        tpu.vector_store %arg9[%swap3A_862], %swap3A_865 {strides = array<i32>} : memref<128xi32, #tpu.memory_space<vmem>>, vector<16xi32>,
        %add3A_866 = arith.constant 16 : i32
        %add3A_867 = vector.broadcast %add3A_866 : i32 to vector<16xi32>
        %add3A_868 = arith.addi %select_n3A_841, %add3A_867 : vector<16xi32>
        %ge3A_869 = arith.constant 200 : i32
        %ge3A_870 = vector.broadcast %ge3A_869 : i32 to vector<16xi32>
        %ge3A_871 = arith.cmpi sge, %add3A_868, %ge3A_870 : vector<16xi32>
        %sub3A_872 = arith.constant 200 : i32
        %sub3A_873 = vector.broadcast %sub3A_872 : i32 to vector<16xi32>
        %sub3A_874 = arith.subi %add3A_868, %sub3A_873 : vector<16xi32>
        %select_n3A_875 = arith.select %ge3A_871, %sub3A_874, %add3A_868 : vector<16xi1>, vector<16xi32>
        %add3A_876 = arith.constant 2 : i32
        %add3A_877 = arith.addi %add3A_559, %add3A_876 : i32
        %mul3A_878 = arith.constant 128 : i32
        %mul3A_879 = arith.muli %add3A_877, %mul3A_878 : i32
        %add3A_880 = arith.constant 80 : i32
        %add3A_881 = arith.addi %mul3A_879, %add3A_880 : i32
        %get3A_882 = arith.index_cast %add3A_881 : i32 to index
        %get3A_883 = tpu.vector_load %arg5[%get3A_882] {strides = array<i32>} : memref<25600xi32, #tpu.memory_space<vmem>>, vector<16xi32>,
        %get3A_884 = vector.shape_cast %get3A_883 : vector<16xi32> to vector<16xi32>
        %add3A_885 = arith.constant 200 : i32
        %add3A_886 = arith.addi %mul3A_4, %add3A_885 : i32
        %add3A_887 = arith.constant 5 : i32
        %add3A_888 = arith.addi %add3A_886, %add3A_887 : i32
        %ne3A_889 = arith.constant 0 : i32
        %ne3A_890 = vector.broadcast %ne3A_889 : i32 to vector<16xi32>
        %ne3A_891 = arith.cmpi ne, %get3A_884, %ne3A_890 : vector<16xi32>
        %add3A_892 = vector.broadcast %mul3A_4 : i32 to vector<16xi32>
        %add3A_893 = arith.addi %add3A_892, %select_n3A_875 : vector<16xi32>
        %broadcast_in_dim3A_894 = vector.broadcast %add3A_888 : i32 to vector<16xi32>
        %select_n3A_895 = arith.select %ne3A_891, %broadcast_in_dim3A_894, %add3A_893 : vector<16xi1>, vector<16xi32>
        %swap3A_896 = arith.constant 80 : index
        %swap3A_897 = tpu.vector_load %arg9[%swap3A_896] {strides = array<i32>} : memref<128xi32, #tpu.memory_space<vmem>>, vector<16xi32>,
        %swap3A_898 = vector.shape_cast %swap3A_897 : vector<16xi32> to vector<16xi32>
        %swap3A_899 = vector.shape_cast %select_n3A_895 : vector<16xi32> to vector<16xi32>
        tpu.vector_store %arg9[%swap3A_896], %swap3A_899 {strides = array<i32>} : memref<128xi32, #tpu.memory_space<vmem>>, vector<16xi32>,
        %add3A_900 = arith.constant 16 : i32
        %add3A_901 = vector.broadcast %add3A_900 : i32 to vector<16xi32>
        %add3A_902 = arith.addi %select_n3A_875, %add3A_901 : vector<16xi32>
        %ge3A_903 = arith.constant 200 : i32
        %ge3A_904 = vector.broadcast %ge3A_903 : i32 to vector<16xi32>
        %ge3A_905 = arith.cmpi sge, %add3A_902, %ge3A_904 : vector<16xi32>
        %sub3A_906 = arith.constant 200 : i32
        %sub3A_907 = vector.broadcast %sub3A_906 : i32 to vector<16xi32>
        %sub3A_908 = arith.subi %add3A_902, %sub3A_907 : vector<16xi32>
        %select_n3A_909 = arith.select %ge3A_905, %sub3A_908, %add3A_902 : vector<16xi1>, vector<16xi32>
        %add3A_910 = arith.constant 2 : i32
        %add3A_911 = arith.addi %add3A_559, %add3A_910 : i32
        %mul3A_912 = arith.constant 128 : i32
        %mul3A_913 = arith.muli %add3A_911, %mul3A_912 : i32
        %add3A_914 = arith.constant 96 : i32
        %add3A_915 = arith.addi %mul3A_913, %add3A_914 : i32
        %get3A_916 = arith.index_cast %add3A_915 : i32 to index
        %get3A_917 = tpu.vector_load %arg5[%get3A_916] {strides = array<i32>} : memref<25600xi32, #tpu.memory_space<vmem>>, vector<16xi32>,
        %get3A_918 = vector.shape_cast %get3A_917 : vector<16xi32> to vector<16xi32>
        %add3A_919 = arith.constant 200 : i32
        %add3A_920 = arith.addi %mul3A_4, %add3A_919 : i32
        %add3A_921 = arith.constant 6 : i32
        %add3A_922 = arith.addi %add3A_920, %add3A_921 : i32
        %ne3A_923 = arith.constant 0 : i32
        %ne3A_924 = vector.broadcast %ne3A_923 : i32 to vector<16xi32>
        %ne3A_925 = arith.cmpi ne, %get3A_918, %ne3A_924 : vector<16xi32>
        %add3A_926 = vector.broadcast %mul3A_4 : i32 to vector<16xi32>
        %add3A_927 = arith.addi %add3A_926, %select_n3A_909 : vector<16xi32>
        %broadcast_in_dim3A_928 = vector.broadcast %add3A_922 : i32 to vector<16xi32>
        %select_n3A_929 = arith.select %ne3A_925, %broadcast_in_dim3A_928, %add3A_927 : vector<16xi1>, vector<16xi32>
        %swap3A_930 = arith.constant 96 : index
        %swap3A_931 = tpu.vector_load %arg9[%swap3A_930] {strides = array<i32>} : memref<128xi32, #tpu.memory_space<vmem>>, vector<16xi32>,
        %swap3A_932 = vector.shape_cast %swap3A_931 : vector<16xi32> to vector<16xi32>
        %swap3A_933 = vector.shape_cast %select_n3A_929 : vector<16xi32> to vector<16xi32>
        tpu.vector_store %arg9[%swap3A_930], %swap3A_933 {strides = array<i32>} : memref<128xi32, #tpu.memory_space<vmem>>, vector<16xi32>,
        %add3A_934 = arith.constant 16 : i32
        %add3A_935 = vector.broadcast %add3A_934 : i32 to vector<16xi32>
        %add3A_936 = arith.addi %select_n3A_909, %add3A_935 : vector<16xi32>
        %ge3A_937 = arith.constant 200 : i32
        %ge3A_938 = vector.broadcast %ge3A_937 : i32 to vector<16xi32>
        %ge3A_939 = arith.cmpi sge, %add3A_936, %ge3A_938 : vector<16xi32>
        %sub3A_940 = arith.constant 200 : i32
        %sub3A_941 = vector.broadcast %sub3A_940 : i32 to vector<16xi32>
        %sub3A_942 = arith.subi %add3A_936, %sub3A_941 : vector<16xi32>
        %select_n3A_943 = arith.select %ge3A_939, %sub3A_942, %add3A_936 : vector<16xi1>, vector<16xi32>
        %add3A_944 = arith.constant 2 : i32
        %add3A_945 = arith.addi %add3A_559, %add3A_944 : i32
        %mul3A_946 = arith.constant 128 : i32
        %mul3A_947 = arith.muli %add3A_945, %mul3A_946 : i32
        %add3A_948 = arith.constant 112 : i32
        %add3A_949 = arith.addi %mul3A_947, %add3A_948 : i32
        %get3A_950 = arith.index_cast %add3A_949 : i32 to index
        %get3A_951 = tpu.vector_load %arg5[%get3A_950] {strides = array<i32>} : memref<25600xi32, #tpu.memory_space<vmem>>, vector<16xi32>,
        %get3A_952 = vector.shape_cast %get3A_951 : vector<16xi32> to vector<16xi32>
        %add3A_953 = arith.constant 200 : i32
        %add3A_954 = arith.addi %mul3A_4, %add3A_953 : i32
        %add3A_955 = arith.constant 7 : i32
        %add3A_956 = arith.addi %add3A_954, %add3A_955 : i32
        %ne3A_957 = arith.constant 0 : i32
        %ne3A_958 = vector.broadcast %ne3A_957 : i32 to vector<16xi32>
        %ne3A_959 = arith.cmpi ne, %get3A_952, %ne3A_958 : vector<16xi32>
        %add3A_960 = vector.broadcast %mul3A_4 : i32 to vector<16xi32>
        %add3A_961 = arith.addi %add3A_960, %select_n3A_943 : vector<16xi32>
        %broadcast_in_dim3A_962 = vector.broadcast %add3A_956 : i32 to vector<16xi32>
        %select_n3A_963 = arith.select %ne3A_959, %broadcast_in_dim3A_962, %add3A_961 : vector<16xi1>, vector<16xi32>
        %swap3A_964 = arith.constant 112 : index
        %swap3A_965 = tpu.vector_load %arg9[%swap3A_964] {strides = array<i32>} : memref<128xi32, #tpu.memory_space<vmem>>, vector<16xi32>,
        %swap3A_966 = vector.shape_cast %swap3A_965 : vector<16xi32> to vector<16xi32>
        %swap3A_967 = vector.shape_cast %select_n3A_963 : vector<16xi32> to vector<16xi32>
        tpu.vector_store %arg9[%swap3A_964], %swap3A_967 {strides = array<i32>} : memref<128xi32, #tpu.memory_space<vmem>>, vector<16xi32>,
        %add3A_968 = arith.constant 16 : i32
        %add3A_969 = vector.broadcast %add3A_968 : i32 to vector<16xi32>
        %add3A_970 = arith.addi %select_n3A_943, %add3A_969 : vector<16xi32>
        %ge3A_971 = arith.constant 200 : i32
        %ge3A_972 = vector.broadcast %ge3A_971 : i32 to vector<16xi32>
        %ge3A_973 = arith.cmpi sge, %add3A_970, %ge3A_972 : vector<16xi32>
        %sub3A_974 = arith.constant 200 : i32
        %sub3A_975 = vector.broadcast %sub3A_974 : i32 to vector<16xi32>
        %sub3A_976 = arith.subi %add3A_970, %sub3A_975 : vector<16xi32>
        %select_n3A_977 = arith.select %ge3A_973, %sub3A_976, %add3A_970 : vector<16xi1>, vector<16xi32>
        %add3A_978 = arith.constant 2 : i32
        %add3A_979 = arith.addi %add3A_559, %add3A_978 : i32
        %dma_start3A_980 = arith.constant 3 : i32
        %dma_start3A_981 = arith.constant 0 : i32
        %dma_start3A_982 = arith.constant 0 : i32
        %dma_start3A_983 = tpu.memref_slice %arg10[%dma_start3A_980, %dma_start3A_981, %dma_start3A_982] : memref<4x128x128xf32, #tpu.memory_space<vmem>> -> memref<1x128x128xf32, #tpu.memory_space<vmem>>
        %dma_start3A_984 = tpu.memref_squeeze %dma_start3A_983 : memref<1x128x128xf32, #tpu.memory_space<vmem>> -> memref<128x128xf32, #tpu.memory_space<vmem>>
        %dma_start3A_985 = arith.constant 0 : i32
        %dma_start3A_986 = arith.constant 0 : i32
        %dma_start3A_987 = tpu.memref_slice %arg11[%dma_start3A_985, %dma_start3A_986] : memref<3328x128xf32, #tpu.memory_space<vmem_shared>> -> memref<3328x128xf32, #tpu.memory_space<vmem_shared>>
        tpu.enqueue_indirect_dma source(%dma_start3A_987 : memref<3328x128xf32, #tpu.memory_space<vmem_shared>>) target(%dma_start3A_984 : memref<128x128xf32, #tpu.memory_space<vmem>>) offsets(%arg9 : memref<128xi32, #tpu.memory_space<vmem>>) semaphore(%arg15 : memref<!tpu.dma_semaphore, #tpu.memory_space<semaphore_mem>>)
      } else {
      }
      %dma_wait3A_572 = arith.constant 1 : i32
      %dma_wait3A_573 = arith.constant 0 : i32
      %dma_wait3A_574 = arith.constant 0 : i32
      %dma_wait3A_575 = tpu.memref_slice %arg10[%dma_wait3A_572, %dma_wait3A_573, %dma_wait3A_574] : memref<4x128x128xf32, #tpu.memory_space<vmem>> -> memref<1x128x128xf32, #tpu.memory_space<vmem>>
      %dma_wait3A_576 = tpu.memref_squeeze %dma_wait3A_575 : memref<1x128x128xf32, #tpu.memory_space<vmem>> -> memref<128x128xf32, #tpu.memory_space<vmem>>
      %dma_wait3A_577 = arith.constant 0 : i32
      %dma_wait3A_578 = arith.constant 0 : i32
      %dma_wait3A_579 = tpu.memref_slice %arg3[%dma_wait3A_577, %dma_wait3A_578] : memref<6656x128xf32, #tpu.memory_space<hbm>> -> memref<6656x128xf32, #tpu.memory_space<hbm>>
      tpu.wait_indirect_dma semaphore(%arg13 : memref<!tpu.dma_semaphore, #tpu.memory_space<semaphore_mem>>) src(%dma_wait3A_579 : memref<6656x128xf32, #tpu.memory_space<hbm>>) dst(%dma_wait3A_576 : memref<128x128xf32, #tpu.memory_space<vmem>>)
      %mul3A_580 = arith.constant 128 : i32
      %mul3A_581 = arith.muli %add3A_559, %mul3A_580 : i32
      %add3A_582 = arith.addi %mul3A_2, %mul3A_581 : i32
      %dma_start3A_583 = arith.constant 1 : i32
      %dma_start3A_584 = arith.constant 0 : i32
      %dma_start3A_585 = arith.constant 0 : i32
      %dma_start3A_586 = tpu.memref_slice %arg10[%dma_start3A_583, %dma_start3A_584, %dma_start3A_585] : memref<4x128x128xf32, #tpu.memory_space<vmem>> -> memref<1x128x128xf32, #tpu.memory_space<vmem>>
      %dma_start3A_587 = tpu.memref_squeeze %dma_start3A_586 : memref<1x128x128xf32, #tpu.memory_space<vmem>> -> memref<128x128xf32, #tpu.memory_space<vmem>>
      %dma_start3A_588 = arith.constant 0 : i32
      %dma_start3A_589 = tpu.memref_slice %arg4[%add3A_582, %dma_start3A_588] : memref<819200x128xf32, #tpu.memory_space<hbm>> -> memref<128x128xf32, #tpu.memory_space<hbm>>
      %dma_start3A_590 = arith.constant 0 : i32
      %dma_start3A_591 = tpu.memref_slice %arg4[%add3A_582, %dma_start3A_590] : memref<819200x128xf32, #tpu.memory_space<hbm>> -> memref<128x128xf32, #tpu.memory_space<hbm>>
      %dma_start3A_592 = arith.constant 0 : i32
      %dma_start3A_593 = arith.constant 0 : i32
      %dma_start3A_594 = tpu.memref_slice %arg10[%dma_start3A_583, %dma_start3A_592, %dma_start3A_593] : memref<4x128x128xf32, #tpu.memory_space<vmem>> -> memref<1x128x128xf32, #tpu.memory_space<vmem>>
      %dma_start3A_595 = tpu.memref_squeeze %dma_start3A_594 : memref<1x128x128xf32, #tpu.memory_space<vmem>> -> memref<128x128xf32, #tpu.memory_space<vmem>>
      tpu.enqueue_dma source(%dma_start3A_595 : memref<128x128xf32, #tpu.memory_space<vmem>>) target(%dma_start3A_591 : memref<128x128xf32, #tpu.memory_space<hbm>>) target_semaphore(%arg17 : memref<!tpu.dma_semaphore, #tpu.memory_space<semaphore_mem>>)
      %add3A_596 = arith.constant 128 : i32
      %add3A_597 = vector.broadcast %add3A_596 : i32 to vector<16xi32>
      %add3A_598 = arith.addi %select_n3A_555, %add3A_597 : vector<16xi32>
      %ge3A_599 = arith.constant 200 : i32
      %ge3A_600 = vector.broadcast %ge3A_599 : i32 to vector<16xi32>
      %ge3A_601 = arith.cmpi sge, %add3A_598, %ge3A_600 : vector<16xi32>
      %sub3A_602 = arith.constant 200 : i32
      %sub3A_603 = vector.broadcast %sub3A_602 : i32 to vector<16xi32>
      %sub3A_604 = arith.subi %add3A_598, %sub3A_603 : vector<16xi32>
      %select_n3A_605 = arith.select %ge3A_601, %sub3A_604, %add3A_598 : vector<16xi1>, vector<16xi32>
      %mul3A_606 = arith.constant 4 : i32
      %mul3A_607 = arith.muli %mul3A_606, %scan3A_507 : i32
      %add3A_608 = arith.constant 2 : i32
      %add3A_609 = arith.addi %mul3A_607, %add3A_608 : i32
      %ge3A_610 = arith.constant 2 : i32
      %ge3A_611 = arith.cmpi sge, %add3A_609, %ge3A_610 : i32
      %convert_element_type3A_612 = arith.extui %ge3A_611 : i1 to i32
      %cond3A_613 = arith.constant 0 : i32
      %cond3A_614 = arith.cmpi ne, %convert_element_type3A_612, %cond3A_613 : i32
      scf.if %cond3A_614 {
        %dma_wait3A_706 = arith.constant 0 : i32
        %dma_wait3A_707 = arith.constant 0 : i32
        %dma_wait3A_708 = arith.constant 0 : i32
        %dma_wait3A_709 = tpu.memref_slice %arg10[%dma_wait3A_706, %dma_wait3A_707, %dma_wait3A_708] : memref<4x128x128xf32, #tpu.memory_space<vmem>> -> memref<1x128x128xf32, #tpu.memory_space<vmem>>
        %dma_wait3A_710 = tpu.memref_squeeze %dma_wait3A_709 : memref<1x128x128xf32, #tpu.memory_space<vmem>> -> memref<128x128xf32, #tpu.memory_space<vmem>>
        %dma_wait3A_711 = arith.constant 0 : i32
        %dma_wait3A_712 = tpu.memref_slice %arg4[%mul3A_2, %dma_wait3A_711] : memref<819200x128xf32, #tpu.memory_space<hbm>> -> memref<128x128xf32, #tpu.memory_space<hbm>>
        %dma_wait3A_713 = arith.constant 0 : i32
        %dma_wait3A_714 = tpu.memref_slice %arg4[%mul3A_2, %dma_wait3A_713] : memref<819200x128xf32, #tpu.memory_space<hbm>> -> memref<128x128xf32, #tpu.memory_space<hbm>>
        %dma_wait3A_715 = arith.constant 0 : i32
        %dma_wait3A_716 = arith.constant 0 : i32
        %dma_wait3A_717 = tpu.memref_slice %arg10[%dma_wait3A_706, %dma_wait3A_715, %dma_wait3A_716] : memref<4x128x128xf32, #tpu.memory_space<vmem>> -> memref<1x128x128xf32, #tpu.memory_space<vmem>>
        %dma_wait3A_718 = tpu.memref_squeeze %dma_wait3A_717 : memref<1x128x128xf32, #tpu.memory_space<vmem>> -> memref<128x128xf32, #tpu.memory_space<vmem>>
        tpu.wait_dma2 semaphore(%arg16 : memref<!tpu.dma_semaphore, #tpu.memory_space<semaphore_mem>>) src(%dma_wait3A_718 : memref<128x128xf32, #tpu.memory_space<vmem>>) dst(%dma_wait3A_714 : memref<128x128xf32, #tpu.memory_space<hbm>>)
      } else {
      }
      %add3A_615 = arith.constant 2 : i32
      %add3A_616 = arith.addi %add3A_609, %add3A_615 : i32
      %lt3A_617 = arith.constant 200 : i32
      %lt3A_618 = arith.cmpi slt, %add3A_616, %lt3A_617 : i32
      %convert_element_type3A_619 = arith.extui %lt3A_618 : i1 to i32
      %cond3A_620 = arith.constant 0 : i32
      %cond3A_621 = arith.cmpi ne, %convert_element_type3A_619, %cond3A_620 : i32
      scf.if %cond3A_621 {
        %add3A_706 = arith.constant 2 : i32
        %add3A_707 = arith.addi %add3A_609, %add3A_706 : i32
        %mul3A_708 = arith.constant 128 : i32
        %mul3A_709 = arith.muli %add3A_707, %mul3A_708 : i32
        %add3A_710 = arith.constant 0 : i32
        %add3A_711 = arith.addi %mul3A_709, %add3A_710 : i32
        %get3A_712 = arith.index_cast %add3A_711 : i32 to index
        %get3A_713 = tpu.vector_load %arg5[%get3A_712] {strides = array<i32>} : memref<25600xi32, #tpu.memory_space<vmem>>, vector<16xi32>,
        %get3A_714 = vector.shape_cast %get3A_713 : vector<16xi32> to vector<16xi32>
        %add3A_715 = arith.constant 200 : i32
        %add3A_716 = arith.addi %mul3A_4, %add3A_715 : i32
        %add3A_717 = arith.constant 0 : i32
        %add3A_718 = arith.addi %add3A_716, %add3A_717 : i32
        %ne3A_719 = arith.constant 0 : i32
        %ne3A_720 = vector.broadcast %ne3A_719 : i32 to vector<16xi32>
        %ne3A_721 = arith.cmpi ne, %get3A_714, %ne3A_720 : vector<16xi32>
        %add3A_722 = vector.broadcast %mul3A_4 : i32 to vector<16xi32>
        %add3A_723 = arith.addi %add3A_722, %select_n3A_605 : vector<16xi32>
        %broadcast_in_dim3A_724 = vector.broadcast %add3A_718 : i32 to vector<16xi32>
        %select_n3A_725 = arith.select %ne3A_721, %broadcast_in_dim3A_724, %add3A_723 : vector<16xi1>, vector<16xi32>
        %swap3A_726 = arith.constant 0 : index
        %swap3A_727 = tpu.vector_load %arg6[%swap3A_726] {strides = array<i32>} : memref<128xi32, #tpu.memory_space<vmem>>, vector<16xi32>,
        %swap3A_728 = vector.shape_cast %swap3A_727 : vector<16xi32> to vector<16xi32>
        %swap3A_729 = vector.shape_cast %select_n3A_725 : vector<16xi32> to vector<16xi32>
        tpu.vector_store %arg6[%swap3A_726], %swap3A_729 {strides = array<i32>} : memref<128xi32, #tpu.memory_space<vmem>>, vector<16xi32>,
        %add3A_730 = arith.constant 16 : i32
        %add3A_731 = vector.broadcast %add3A_730 : i32 to vector<16xi32>
        %add3A_732 = arith.addi %select_n3A_605, %add3A_731 : vector<16xi32>
        %ge3A_733 = arith.constant 200 : i32
        %ge3A_734 = vector.broadcast %ge3A_733 : i32 to vector<16xi32>
        %ge3A_735 = arith.cmpi sge, %add3A_732, %ge3A_734 : vector<16xi32>
        %sub3A_736 = arith.constant 200 : i32
        %sub3A_737 = vector.broadcast %sub3A_736 : i32 to vector<16xi32>
        %sub3A_738 = arith.subi %add3A_732, %sub3A_737 : vector<16xi32>
        %select_n3A_739 = arith.select %ge3A_735, %sub3A_738, %add3A_732 : vector<16xi1>, vector<16xi32>
        %add3A_740 = arith.constant 2 : i32
        %add3A_741 = arith.addi %add3A_609, %add3A_740 : i32
        %mul3A_742 = arith.constant 128 : i32
        %mul3A_743 = arith.muli %add3A_741, %mul3A_742 : i32
        %add3A_744 = arith.constant 16 : i32
        %add3A_745 = arith.addi %mul3A_743, %add3A_744 : i32
        %get3A_746 = arith.index_cast %add3A_745 : i32 to index
        %get3A_747 = tpu.vector_load %arg5[%get3A_746] {strides = array<i32>} : memref<25600xi32, #tpu.memory_space<vmem>>, vector<16xi32>,
        %get3A_748 = vector.shape_cast %get3A_747 : vector<16xi32> to vector<16xi32>
        %add3A_749 = arith.constant 200 : i32
        %add3A_750 = arith.addi %mul3A_4, %add3A_749 : i32
        %add3A_751 = arith.constant 1 : i32
        %add3A_752 = arith.addi %add3A_750, %add3A_751 : i32
        %ne3A_753 = arith.constant 0 : i32
        %ne3A_754 = vector.broadcast %ne3A_753 : i32 to vector<16xi32>
        %ne3A_755 = arith.cmpi ne, %get3A_748, %ne3A_754 : vector<16xi32>
        %add3A_756 = vector.broadcast %mul3A_4 : i32 to vector<16xi32>
        %add3A_757 = arith.addi %add3A_756, %select_n3A_739 : vector<16xi32>
        %broadcast_in_dim3A_758 = vector.broadcast %add3A_752 : i32 to vector<16xi32>
        %select_n3A_759 = arith.select %ne3A_755, %broadcast_in_dim3A_758, %add3A_757 : vector<16xi1>, vector<16xi32>
        %swap3A_760 = arith.constant 16 : index
        %swap3A_761 = tpu.vector_load %arg6[%swap3A_760] {strides = array<i32>} : memref<128xi32, #tpu.memory_space<vmem>>, vector<16xi32>,
        %swap3A_762 = vector.shape_cast %swap3A_761 : vector<16xi32> to vector<16xi32>
        %swap3A_763 = vector.shape_cast %select_n3A_759 : vector<16xi32> to vector<16xi32>
        tpu.vector_store %arg6[%swap3A_760], %swap3A_763 {strides = array<i32>} : memref<128xi32, #tpu.memory_space<vmem>>, vector<16xi32>,
        %add3A_764 = arith.constant 16 : i32
        %add3A_765 = vector.broadcast %add3A_764 : i32 to vector<16xi32>
        %add3A_766 = arith.addi %select_n3A_739, %add3A_765 : vector<16xi32>
        %ge3A_767 = arith.constant 200 : i32
        %ge3A_768 = vector.broadcast %ge3A_767 : i32 to vector<16xi32>
        %ge3A_769 = arith.cmpi sge, %add3A_766, %ge3A_768 : vector<16xi32>
        %sub3A_770 = arith.constant 200 : i32
        %sub3A_771 = vector.broadcast %sub3A_770 : i32 to vector<16xi32>
        %sub3A_772 = arith.subi %add3A_766, %sub3A_771 : vector<16xi32>
        %select_n3A_773 = arith.select %ge3A_769, %sub3A_772, %add3A_766 : vector<16xi1>, vector<16xi32>
        %add3A_774 = arith.constant 2 : i32
        %add3A_775 = arith.addi %add3A_609, %add3A_774 : i32
        %mul3A_776 = arith.constant 128 : i32
        %mul3A_777 = arith.muli %add3A_775, %mul3A_776 : i32
        %add3A_778 = arith.constant 32 : i32
        %add3A_779 = arith.addi %mul3A_777, %add3A_778 : i32
        %get3A_780 = arith.index_cast %add3A_779 : i32 to index
        %get3A_781 = tpu.vector_load %arg5[%get3A_780] {strides = array<i32>} : memref<25600xi32, #tpu.memory_space<vmem>>, vector<16xi32>,
        %get3A_782 = vector.shape_cast %get3A_781 : vector<16xi32> to vector<16xi32>
        %add3A_783 = arith.constant 200 : i32
        %add3A_784 = arith.addi %mul3A_4, %add3A_783 : i32
        %add3A_785 = arith.constant 2 : i32
        %add3A_786 = arith.addi %add3A_784, %add3A_785 : i32
        %ne3A_787 = arith.constant 0 : i32
        %ne3A_788 = vector.broadcast %ne3A_787 : i32 to vector<16xi32>
        %ne3A_789 = arith.cmpi ne, %get3A_782, %ne3A_788 : vector<16xi32>
        %add3A_790 = vector.broadcast %mul3A_4 : i32 to vector<16xi32>
        %add3A_791 = arith.addi %add3A_790, %select_n3A_773 : vector<16xi32>
        %broadcast_in_dim3A_792 = vector.broadcast %add3A_786 : i32 to vector<16xi32>
        %select_n3A_793 = arith.select %ne3A_789, %broadcast_in_dim3A_792, %add3A_791 : vector<16xi1>, vector<16xi32>
        %swap3A_794 = arith.constant 32 : index
        %swap3A_795 = tpu.vector_load %arg6[%swap3A_794] {strides = array<i32>} : memref<128xi32, #tpu.memory_space<vmem>>, vector<16xi32>,
        %swap3A_796 = vector.shape_cast %swap3A_795 : vector<16xi32> to vector<16xi32>
        %swap3A_797 = vector.shape_cast %select_n3A_793 : vector<16xi32> to vector<16xi32>
        tpu.vector_store %arg6[%swap3A_794], %swap3A_797 {strides = array<i32>} : memref<128xi32, #tpu.memory_space<vmem>>, vector<16xi32>,
        %add3A_798 = arith.constant 16 : i32
        %add3A_799 = vector.broadcast %add3A_798 : i32 to vector<16xi32>
        %add3A_800 = arith.addi %select_n3A_773, %add3A_799 : vector<16xi32>
        %ge3A_801 = arith.constant 200 : i32
        %ge3A_802 = vector.broadcast %ge3A_801 : i32 to vector<16xi32>
        %ge3A_803 = arith.cmpi sge, %add3A_800, %ge3A_802 : vector<16xi32>
        %sub3A_804 = arith.constant 200 : i32
        %sub3A_805 = vector.broadcast %sub3A_804 : i32 to vector<16xi32>
        %sub3A_806 = arith.subi %add3A_800, %sub3A_805 : vector<16xi32>
        %select_n3A_807 = arith.select %ge3A_803, %sub3A_806, %add3A_800 : vector<16xi1>, vector<16xi32>
        %add3A_808 = arith.constant 2 : i32
        %add3A_809 = arith.addi %add3A_609, %add3A_808 : i32
        %mul3A_810 = arith.constant 128 : i32
        %mul3A_811 = arith.muli %add3A_809, %mul3A_810 : i32
        %add3A_812 = arith.constant 48 : i32
        %add3A_813 = arith.addi %mul3A_811, %add3A_812 : i32
        %get3A_814 = arith.index_cast %add3A_813 : i32 to index
        %get3A_815 = tpu.vector_load %arg5[%get3A_814] {strides = array<i32>} : memref<25600xi32, #tpu.memory_space<vmem>>, vector<16xi32>,
        %get3A_816 = vector.shape_cast %get3A_815 : vector<16xi32> to vector<16xi32>
        %add3A_817 = arith.constant 200 : i32
        %add3A_818 = arith.addi %mul3A_4, %add3A_817 : i32
        %add3A_819 = arith.constant 3 : i32
        %add3A_820 = arith.addi %add3A_818, %add3A_819 : i32
        %ne3A_821 = arith.constant 0 : i32
        %ne3A_822 = vector.broadcast %ne3A_821 : i32 to vector<16xi32>
        %ne3A_823 = arith.cmpi ne, %get3A_816, %ne3A_822 : vector<16xi32>
        %add3A_824 = vector.broadcast %mul3A_4 : i32 to vector<16xi32>
        %add3A_825 = arith.addi %add3A_824, %select_n3A_807 : vector<16xi32>
        %broadcast_in_dim3A_826 = vector.broadcast %add3A_820 : i32 to vector<16xi32>
        %select_n3A_827 = arith.select %ne3A_823, %broadcast_in_dim3A_826, %add3A_825 : vector<16xi1>, vector<16xi32>
        %swap3A_828 = arith.constant 48 : index
        %swap3A_829 = tpu.vector_load %arg6[%swap3A_828] {strides = array<i32>} : memref<128xi32, #tpu.memory_space<vmem>>, vector<16xi32>,
        %swap3A_830 = vector.shape_cast %swap3A_829 : vector<16xi32> to vector<16xi32>
        %swap3A_831 = vector.shape_cast %select_n3A_827 : vector<16xi32> to vector<16xi32>
        tpu.vector_store %arg6[%swap3A_828], %swap3A_831 {strides = array<i32>} : memref<128xi32, #tpu.memory_space<vmem>>, vector<16xi32>,
        %add3A_832 = arith.constant 16 : i32
        %add3A_833 = vector.broadcast %add3A_832 : i32 to vector<16xi32>
        %add3A_834 = arith.addi %select_n3A_807, %add3A_833 : vector<16xi32>
        %ge3A_835 = arith.constant 200 : i32
        %ge3A_836 = vector.broadcast %ge3A_835 : i32 to vector<16xi32>
        %ge3A_837 = arith.cmpi sge, %add3A_834, %ge3A_836 : vector<16xi32>
        %sub3A_838 = arith.constant 200 : i32
        %sub3A_839 = vector.broadcast %sub3A_838 : i32 to vector<16xi32>
        %sub3A_840 = arith.subi %add3A_834, %sub3A_839 : vector<16xi32>
        %select_n3A_841 = arith.select %ge3A_837, %sub3A_840, %add3A_834 : vector<16xi1>, vector<16xi32>
        %add3A_842 = arith.constant 2 : i32
        %add3A_843 = arith.addi %add3A_609, %add3A_842 : i32
        %mul3A_844 = arith.constant 128 : i32
        %mul3A_845 = arith.muli %add3A_843, %mul3A_844 : i32
        %add3A_846 = arith.constant 64 : i32
        %add3A_847 = arith.addi %mul3A_845, %add3A_846 : i32
        %get3A_848 = arith.index_cast %add3A_847 : i32 to index
        %get3A_849 = tpu.vector_load %arg5[%get3A_848] {strides = array<i32>} : memref<25600xi32, #tpu.memory_space<vmem>>, vector<16xi32>,
        %get3A_850 = vector.shape_cast %get3A_849 : vector<16xi32> to vector<16xi32>
        %add3A_851 = arith.constant 200 : i32
        %add3A_852 = arith.addi %mul3A_4, %add3A_851 : i32
        %add3A_853 = arith.constant 4 : i32
        %add3A_854 = arith.addi %add3A_852, %add3A_853 : i32
        %ne3A_855 = arith.constant 0 : i32
        %ne3A_856 = vector.broadcast %ne3A_855 : i32 to vector<16xi32>
        %ne3A_857 = arith.cmpi ne, %get3A_850, %ne3A_856 : vector<16xi32>
        %add3A_858 = vector.broadcast %mul3A_4 : i32 to vector<16xi32>
        %add3A_859 = arith.addi %add3A_858, %select_n3A_841 : vector<16xi32>
        %broadcast_in_dim3A_860 = vector.broadcast %add3A_854 : i32 to vector<16xi32>
        %select_n3A_861 = arith.select %ne3A_857, %broadcast_in_dim3A_860, %add3A_859 : vector<16xi1>, vector<16xi32>
        %swap3A_862 = arith.constant 64 : index
        %swap3A_863 = tpu.vector_load %arg6[%swap3A_862] {strides = array<i32>} : memref<128xi32, #tpu.memory_space<vmem>>, vector<16xi32>,
        %swap3A_864 = vector.shape_cast %swap3A_863 : vector<16xi32> to vector<16xi32>
        %swap3A_865 = vector.shape_cast %select_n3A_861 : vector<16xi32> to vector<16xi32>
        tpu.vector_store %arg6[%swap3A_862], %swap3A_865 {strides = array<i32>} : memref<128xi32, #tpu.memory_space<vmem>>, vector<16xi32>,
        %add3A_866 = arith.constant 16 : i32
        %add3A_867 = vector.broadcast %add3A_866 : i32 to vector<16xi32>
        %add3A_868 = arith.addi %select_n3A_841, %add3A_867 : vector<16xi32>
        %ge3A_869 = arith.constant 200 : i32
        %ge3A_870 = vector.broadcast %ge3A_869 : i32 to vector<16xi32>
        %ge3A_871 = arith.cmpi sge, %add3A_868, %ge3A_870 : vector<16xi32>
        %sub3A_872 = arith.constant 200 : i32
        %sub3A_873 = vector.broadcast %sub3A_872 : i32 to vector<16xi32>
        %sub3A_874 = arith.subi %add3A_868, %sub3A_873 : vector<16xi32>
        %select_n3A_875 = arith.select %ge3A_871, %sub3A_874, %add3A_868 : vector<16xi1>, vector<16xi32>
        %add3A_876 = arith.constant 2 : i32
        %add3A_877 = arith.addi %add3A_609, %add3A_876 : i32
        %mul3A_878 = arith.constant 128 : i32
        %mul3A_879 = arith.muli %add3A_877, %mul3A_878 : i32
        %add3A_880 = arith.constant 80 : i32
        %add3A_881 = arith.addi %mul3A_879, %add3A_880 : i32
        %get3A_882 = arith.index_cast %add3A_881 : i32 to index
        %get3A_883 = tpu.vector_load %arg5[%get3A_882] {strides = array<i32>} : memref<25600xi32, #tpu.memory_space<vmem>>, vector<16xi32>,
        %get3A_884 = vector.shape_cast %get3A_883 : vector<16xi32> to vector<16xi32>
        %add3A_885 = arith.constant 200 : i32
        %add3A_886 = arith.addi %mul3A_4, %add3A_885 : i32
        %add3A_887 = arith.constant 5 : i32
        %add3A_888 = arith.addi %add3A_886, %add3A_887 : i32
        %ne3A_889 = arith.constant 0 : i32
        %ne3A_890 = vector.broadcast %ne3A_889 : i32 to vector<16xi32>
        %ne3A_891 = arith.cmpi ne, %get3A_884, %ne3A_890 : vector<16xi32>
        %add3A_892 = vector.broadcast %mul3A_4 : i32 to vector<16xi32>
        %add3A_893 = arith.addi %add3A_892, %select_n3A_875 : vector<16xi32>
        %broadcast_in_dim3A_894 = vector.broadcast %add3A_888 : i32 to vector<16xi32>
        %select_n3A_895 = arith.select %ne3A_891, %broadcast_in_dim3A_894, %add3A_893 : vector<16xi1>, vector<16xi32>
        %swap3A_896 = arith.constant 80 : index
        %swap3A_897 = tpu.vector_load %arg6[%swap3A_896] {strides = array<i32>} : memref<128xi32, #tpu.memory_space<vmem>>, vector<16xi32>,
        %swap3A_898 = vector.shape_cast %swap3A_897 : vector<16xi32> to vector<16xi32>
        %swap3A_899 = vector.shape_cast %select_n3A_895 : vector<16xi32> to vector<16xi32>
        tpu.vector_store %arg6[%swap3A_896], %swap3A_899 {strides = array<i32>} : memref<128xi32, #tpu.memory_space<vmem>>, vector<16xi32>,
        %add3A_900 = arith.constant 16 : i32
        %add3A_901 = vector.broadcast %add3A_900 : i32 to vector<16xi32>
        %add3A_902 = arith.addi %select_n3A_875, %add3A_901 : vector<16xi32>
        %ge3A_903 = arith.constant 200 : i32
        %ge3A_904 = vector.broadcast %ge3A_903 : i32 to vector<16xi32>
        %ge3A_905 = arith.cmpi sge, %add3A_902, %ge3A_904 : vector<16xi32>
        %sub3A_906 = arith.constant 200 : i32
        %sub3A_907 = vector.broadcast %sub3A_906 : i32 to vector<16xi32>
        %sub3A_908 = arith.subi %add3A_902, %sub3A_907 : vector<16xi32>
        %select_n3A_909 = arith.select %ge3A_905, %sub3A_908, %add3A_902 : vector<16xi1>, vector<16xi32>
        %add3A_910 = arith.constant 2 : i32
        %add3A_911 = arith.addi %add3A_609, %add3A_910 : i32
        %mul3A_912 = arith.constant 128 : i32
        %mul3A_913 = arith.muli %add3A_911, %mul3A_912 : i32
        %add3A_914 = arith.constant 96 : i32
        %add3A_915 = arith.addi %mul3A_913, %add3A_914 : i32
        %get3A_916 = arith.index_cast %add3A_915 : i32 to index
        %get3A_917 = tpu.vector_load %arg5[%get3A_916] {strides = array<i32>} : memref<25600xi32, #tpu.memory_space<vmem>>, vector<16xi32>,
        %get3A_918 = vector.shape_cast %get3A_917 : vector<16xi32> to vector<16xi32>
        %add3A_919 = arith.constant 200 : i32
        %add3A_920 = arith.addi %mul3A_4, %add3A_919 : i32
        %add3A_921 = arith.constant 6 : i32
        %add3A_922 = arith.addi %add3A_920, %add3A_921 : i32
        %ne3A_923 = arith.constant 0 : i32
        %ne3A_924 = vector.broadcast %ne3A_923 : i32 to vector<16xi32>
        %ne3A_925 = arith.cmpi ne, %get3A_918, %ne3A_924 : vector<16xi32>
        %add3A_926 = vector.broadcast %mul3A_4 : i32 to vector<16xi32>
        %add3A_927 = arith.addi %add3A_926, %select_n3A_909 : vector<16xi32>
        %broadcast_in_dim3A_928 = vector.broadcast %add3A_922 : i32 to vector<16xi32>
        %select_n3A_929 = arith.select %ne3A_925, %broadcast_in_dim3A_928, %add3A_927 : vector<16xi1>, vector<16xi32>
        %swap3A_930 = arith.constant 96 : index
        %swap3A_931 = tpu.vector_load %arg6[%swap3A_930] {strides = array<i32>} : memref<128xi32, #tpu.memory_space<vmem>>, vector<16xi32>,
        %swap3A_932 = vector.shape_cast %swap3A_931 : vector<16xi32> to vector<16xi32>
        %swap3A_933 = vector.shape_cast %select_n3A_929 : vector<16xi32> to vector<16xi32>
        tpu.vector_store %arg6[%swap3A_930], %swap3A_933 {strides = array<i32>} : memref<128xi32, #tpu.memory_space<vmem>>, vector<16xi32>,
        %add3A_934 = arith.constant 16 : i32
        %add3A_935 = vector.broadcast %add3A_934 : i32 to vector<16xi32>
        %add3A_936 = arith.addi %select_n3A_909, %add3A_935 : vector<16xi32>
        %ge3A_937 = arith.constant 200 : i32
        %ge3A_938 = vector.broadcast %ge3A_937 : i32 to vector<16xi32>
        %ge3A_939 = arith.cmpi sge, %add3A_936, %ge3A_938 : vector<16xi32>
        %sub3A_940 = arith.constant 200 : i32
        %sub3A_941 = vector.broadcast %sub3A_940 : i32 to vector<16xi32>
        %sub3A_942 = arith.subi %add3A_936, %sub3A_941 : vector<16xi32>
        %select_n3A_943 = arith.select %ge3A_939, %sub3A_942, %add3A_936 : vector<16xi1>, vector<16xi32>
        %add3A_944 = arith.constant 2 : i32
        %add3A_945 = arith.addi %add3A_609, %add3A_944 : i32
        %mul3A_946 = arith.constant 128 : i32
        %mul3A_947 = arith.muli %add3A_945, %mul3A_946 : i32
        %add3A_948 = arith.constant 112 : i32
        %add3A_949 = arith.addi %mul3A_947, %add3A_948 : i32
        %get3A_950 = arith.index_cast %add3A_949 : i32 to index
        %get3A_951 = tpu.vector_load %arg5[%get3A_950] {strides = array<i32>} : memref<25600xi32, #tpu.memory_space<vmem>>, vector<16xi32>,
        %get3A_952 = vector.shape_cast %get3A_951 : vector<16xi32> to vector<16xi32>
        %add3A_953 = arith.constant 200 : i32
        %add3A_954 = arith.addi %mul3A_4, %add3A_953 : i32
        %add3A_955 = arith.constant 7 : i32
        %add3A_956 = arith.addi %add3A_954, %add3A_955 : i32
        %ne3A_957 = arith.constant 0 : i32
        %ne3A_958 = vector.broadcast %ne3A_957 : i32 to vector<16xi32>
        %ne3A_959 = arith.cmpi ne, %get3A_952, %ne3A_958 : vector<16xi32>
        %add3A_960 = vector.broadcast %mul3A_4 : i32 to vector<16xi32>
        %add3A_961 = arith.addi %add3A_960, %select_n3A_943 : vector<16xi32>
        %broadcast_in_dim3A_962 = vector.broadcast %add3A_956 : i32 to vector<16xi32>
        %select_n3A_963 = arith.select %ne3A_959, %broadcast_in_dim3A_962, %add3A_961 : vector<16xi1>, vector<16xi32>
        %swap3A_964 = arith.constant 112 : index
        %swap3A_965 = tpu.vector_load %arg6[%swap3A_964] {strides = array<i32>} : memref<128xi32, #tpu.memory_space<vmem>>, vector<16xi32>,
        %swap3A_966 = vector.shape_cast %swap3A_965 : vector<16xi32> to vector<16xi32>
        %swap3A_967 = vector.shape_cast %select_n3A_963 : vector<16xi32> to vector<16xi32>
        tpu.vector_store %arg6[%swap3A_964], %swap3A_967 {strides = array<i32>} : memref<128xi32, #tpu.memory_space<vmem>>, vector<16xi32>,
        %add3A_968 = arith.constant 16 : i32
        %add3A_969 = vector.broadcast %add3A_968 : i32 to vector<16xi32>
        %add3A_970 = arith.addi %select_n3A_943, %add3A_969 : vector<16xi32>
        %ge3A_971 = arith.constant 200 : i32
        %ge3A_972 = vector.broadcast %ge3A_971 : i32 to vector<16xi32>
        %ge3A_973 = arith.cmpi sge, %add3A_970, %ge3A_972 : vector<16xi32>
        %sub3A_974 = arith.constant 200 : i32
        %sub3A_975 = vector.broadcast %sub3A_974 : i32 to vector<16xi32>
        %sub3A_976 = arith.subi %add3A_970, %sub3A_975 : vector<16xi32>
        %select_n3A_977 = arith.select %ge3A_973, %sub3A_976, %add3A_970 : vector<16xi1>, vector<16xi32>
        %add3A_978 = arith.constant 2 : i32
        %add3A_979 = arith.addi %add3A_609, %add3A_978 : i32
        %dma_start3A_980 = arith.constant 0 : i32
        %dma_start3A_981 = arith.constant 0 : i32
        %dma_start3A_982 = arith.constant 0 : i32
        %dma_start3A_983 = tpu.memref_slice %arg10[%dma_start3A_980, %dma_start3A_981, %dma_start3A_982] : memref<4x128x128xf32, #tpu.memory_space<vmem>> -> memref<1x128x128xf32, #tpu.memory_space<vmem>>
        %dma_start3A_984 = tpu.memref_squeeze %dma_start3A_983 : memref<1x128x128xf32, #tpu.memory_space<vmem>> -> memref<128x128xf32, #tpu.memory_space<vmem>>
        %dma_start3A_985 = arith.constant 0 : i32
        %dma_start3A_986 = arith.constant 0 : i32
        %dma_start3A_987 = tpu.memref_slice %arg11[%dma_start3A_985, %dma_start3A_986] : memref<3328x128xf32, #tpu.memory_space<vmem_shared>> -> memref<3328x128xf32, #tpu.memory_space<vmem_shared>>
        tpu.enqueue_indirect_dma source(%dma_start3A_987 : memref<3328x128xf32, #tpu.memory_space<vmem_shared>>) target(%dma_start3A_984 : memref<128x128xf32, #tpu.memory_space<vmem>>) offsets(%arg6 : memref<128xi32, #tpu.memory_space<vmem>>) semaphore(%arg12 : memref<!tpu.dma_semaphore, #tpu.memory_space<semaphore_mem>>)
      } else {
      }
      %dma_wait3A_622 = arith.constant 2 : i32
      %dma_wait3A_623 = arith.constant 0 : i32
      %dma_wait3A_624 = arith.constant 0 : i32
      %dma_wait3A_625 = tpu.memref_slice %arg10[%dma_wait3A_622, %dma_wait3A_623, %dma_wait3A_624] : memref<4x128x128xf32, #tpu.memory_space<vmem>> -> memref<1x128x128xf32, #tpu.memory_space<vmem>>
      %dma_wait3A_626 = tpu.memref_squeeze %dma_wait3A_625 : memref<1x128x128xf32, #tpu.memory_space<vmem>> -> memref<128x128xf32, #tpu.memory_space<vmem>>
      %dma_wait3A_627 = arith.constant 0 : i32
      %dma_wait3A_628 = arith.constant 0 : i32
      %dma_wait3A_629 = tpu.memref_slice %arg3[%dma_wait3A_627, %dma_wait3A_628] : memref<6656x128xf32, #tpu.memory_space<hbm>> -> memref<6656x128xf32, #tpu.memory_space<hbm>>
      tpu.wait_indirect_dma semaphore(%arg14 : memref<!tpu.dma_semaphore, #tpu.memory_space<semaphore_mem>>) src(%dma_wait3A_629 : memref<6656x128xf32, #tpu.memory_space<hbm>>) dst(%dma_wait3A_626 : memref<128x128xf32, #tpu.memory_space<vmem>>)
      %mul3A_630 = arith.constant 128 : i32
      %mul3A_631 = arith.muli %add3A_609, %mul3A_630 : i32
      %add3A_632 = arith.addi %mul3A_2, %mul3A_631 : i32
      %dma_start3A_633 = arith.constant 2 : i32
      %dma_start3A_634 = arith.constant 0 : i32
      %dma_start3A_635 = arith.constant 0 : i32
      %dma_start3A_636 = tpu.memref_slice %arg10[%dma_start3A_633, %dma_start3A_634, %dma_start3A_635] : memref<4x128x128xf32, #tpu.memory_space<vmem>> -> memref<1x128x128xf32, #tpu.memory_space<vmem>>
      %dma_start3A_637 = tpu.memref_squeeze %dma_start3A_636 : memref<1x128x128xf32, #tpu.memory_space<vmem>> -> memref<128x128xf32, #tpu.memory_space<vmem>>
      %dma_start3A_638 = arith.constant 0 : i32
      %dma_start3A_639 = tpu.memref_slice %arg4[%add3A_632, %dma_start3A_638] : memref<819200x128xf32, #tpu.memory_space<hbm>> -> memref<128x128xf32, #tpu.memory_space<hbm>>
      %dma_start3A_640 = arith.constant 0 : i32
      %dma_start3A_641 = tpu.memref_slice %arg4[%add3A_632, %dma_start3A_640] : memref<819200x128xf32, #tpu.memory_space<hbm>> -> memref<128x128xf32, #tpu.memory_space<hbm>>
      %dma_start3A_642 = arith.constant 0 : i32
      %dma_start3A_643 = arith.constant 0 : i32
      %dma_start3A_644 = tpu.memref_slice %arg10[%dma_start3A_633, %dma_start3A_642, %dma_start3A_643] : memref<4x128x128xf32, #tpu.memory_space<vmem>> -> memref<1x128x128xf32, #tpu.memory_space<vmem>>
      %dma_start3A_645 = tpu.memref_squeeze %dma_start3A_644 : memref<1x128x128xf32, #tpu.memory_space<vmem>> -> memref<128x128xf32, #tpu.memory_space<vmem>>
      tpu.enqueue_dma source(%dma_start3A_645 : memref<128x128xf32, #tpu.memory_space<vmem>>) target(%dma_start3A_641 : memref<128x128xf32, #tpu.memory_space<hbm>>) target_semaphore(%arg18 : memref<!tpu.dma_semaphore, #tpu.memory_space<semaphore_mem>>)
      %add3A_646 = arith.constant 128 : i32
      %add3A_647 = vector.broadcast %add3A_646 : i32 to vector<16xi32>
      %add3A_648 = arith.addi %select_n3A_605, %add3A_647 : vector<16xi32>
      %ge3A_649 = arith.constant 200 : i32
      %ge3A_650 = vector.broadcast %ge3A_649 : i32 to vector<16xi32>
      %ge3A_651 = arith.cmpi sge, %add3A_648, %ge3A_650 : vector<16xi32>
      %sub3A_652 = arith.constant 200 : i32
      %sub3A_653 = vector.broadcast %sub3A_652 : i32 to vector<16xi32>
      %sub3A_654 = arith.subi %add3A_648, %sub3A_653 : vector<16xi32>
      %select_n3A_655 = arith.select %ge3A_651, %sub3A_654, %add3A_648 : vector<16xi1>, vector<16xi32>
      %mul3A_656 = arith.constant 4 : i32
      %mul3A_657 = arith.muli %mul3A_656, %scan3A_507 : i32
      %add3A_658 = arith.constant 3 : i32
      %add3A_659 = arith.addi %mul3A_657, %add3A_658 : i32
      %ge3A_660 = arith.constant 2 : i32
      %ge3A_661 = arith.cmpi sge, %add3A_659, %ge3A_660 : i32
      %convert_element_type3A_662 = arith.extui %ge3A_661 : i1 to i32
      %cond3A_663 = arith.constant 0 : i32
      %cond3A_664 = arith.cmpi ne, %convert_element_type3A_662, %cond3A_663 : i32
      scf.if %cond3A_664 {
        %dma_wait3A_706 = arith.constant 1 : i32
        %dma_wait3A_707 = arith.constant 0 : i32
        %dma_wait3A_708 = arith.constant 0 : i32
        %dma_wait3A_709 = tpu.memref_slice %arg10[%dma_wait3A_706, %dma_wait3A_707, %dma_wait3A_708] : memref<4x128x128xf32, #tpu.memory_space<vmem>> -> memref<1x128x128xf32, #tpu.memory_space<vmem>>
        %dma_wait3A_710 = tpu.memref_squeeze %dma_wait3A_709 : memref<1x128x128xf32, #tpu.memory_space<vmem>> -> memref<128x128xf32, #tpu.memory_space<vmem>>
        %dma_wait3A_711 = arith.constant 0 : i32
        %dma_wait3A_712 = tpu.memref_slice %arg4[%mul3A_2, %dma_wait3A_711] : memref<819200x128xf32, #tpu.memory_space<hbm>> -> memref<128x128xf32, #tpu.memory_space<hbm>>
        %dma_wait3A_713 = arith.constant 0 : i32
        %dma_wait3A_714 = tpu.memref_slice %arg4[%mul3A_2, %dma_wait3A_713] : memref<819200x128xf32, #tpu.memory_space<hbm>> -> memref<128x128xf32, #tpu.memory_space<hbm>>
        %dma_wait3A_715 = arith.constant 0 : i32
        %dma_wait3A_716 = arith.constant 0 : i32
        %dma_wait3A_717 = tpu.memref_slice %arg10[%dma_wait3A_706, %dma_wait3A_715, %dma_wait3A_716] : memref<4x128x128xf32, #tpu.memory_space<vmem>> -> memref<1x128x128xf32, #tpu.memory_space<vmem>>
        %dma_wait3A_718 = tpu.memref_squeeze %dma_wait3A_717 : memref<1x128x128xf32, #tpu.memory_space<vmem>> -> memref<128x128xf32, #tpu.memory_space<vmem>>
        tpu.wait_dma2 semaphore(%arg17 : memref<!tpu.dma_semaphore, #tpu.memory_space<semaphore_mem>>) src(%dma_wait3A_718 : memref<128x128xf32, #tpu.memory_space<vmem>>) dst(%dma_wait3A_714 : memref<128x128xf32, #tpu.memory_space<hbm>>)
      } else {
      }
      %add3A_665 = arith.constant 2 : i32
      %add3A_666 = arith.addi %add3A_659, %add3A_665 : i32
      %lt3A_667 = arith.constant 200 : i32
      %lt3A_668 = arith.cmpi slt, %add3A_666, %lt3A_667 : i32
      %convert_element_type3A_669 = arith.extui %lt3A_668 : i1 to i32
      %cond3A_670 = arith.constant 0 : i32
      %cond3A_671 = arith.cmpi ne, %convert_element_type3A_669, %cond3A_670 : i32
      scf.if %cond3A_671 {
        %add3A_706 = arith.constant 2 : i32
        %add3A_707 = arith.addi %add3A_659, %add3A_706 : i32
        %mul3A_708 = arith.constant 128 : i32
        %mul3A_709 = arith.muli %add3A_707, %mul3A_708 : i32
        %add3A_710 = arith.constant 0 : i32
        %add3A_711 = arith.addi %mul3A_709, %add3A_710 : i32
        %get3A_712 = arith.index_cast %add3A_711 : i32 to index
        %get3A_713 = tpu.vector_load %arg5[%get3A_712] {strides = array<i32>} : memref<25600xi32, #tpu.memory_space<vmem>>, vector<16xi32>,
        %get3A_714 = vector.shape_cast %get3A_713 : vector<16xi32> to vector<16xi32>
        %add3A_715 = arith.constant 200 : i32
        %add3A_716 = arith.addi %mul3A_4, %add3A_715 : i32
        %add3A_717 = arith.constant 0 : i32
        %add3A_718 = arith.addi %add3A_716, %add3A_717 : i32
        %ne3A_719 = arith.constant 0 : i32
        %ne3A_720 = vector.broadcast %ne3A_719 : i32 to vector<16xi32>
        %ne3A_721 = arith.cmpi ne, %get3A_714, %ne3A_720 : vector<16xi32>
        %add3A_722 = vector.broadcast %mul3A_4 : i32 to vector<16xi32>
        %add3A_723 = arith.addi %add3A_722, %select_n3A_655 : vector<16xi32>
        %broadcast_in_dim3A_724 = vector.broadcast %add3A_718 : i32 to vector<16xi32>
        %select_n3A_725 = arith.select %ne3A_721, %broadcast_in_dim3A_724, %add3A_723 : vector<16xi1>, vector<16xi32>
        %swap3A_726 = arith.constant 0 : index
        %swap3A_727 = tpu.vector_load %arg7[%swap3A_726] {strides = array<i32>} : memref<128xi32, #tpu.memory_space<vmem>>, vector<16xi32>,
        %swap3A_728 = vector.shape_cast %swap3A_727 : vector<16xi32> to vector<16xi32>
        %swap3A_729 = vector.shape_cast %select_n3A_725 : vector<16xi32> to vector<16xi32>
        tpu.vector_store %arg7[%swap3A_726], %swap3A_729 {strides = array<i32>} : memref<128xi32, #tpu.memory_space<vmem>>, vector<16xi32>,
        %add3A_730 = arith.constant 16 : i32
        %add3A_731 = vector.broadcast %add3A_730 : i32 to vector<16xi32>
        %add3A_732 = arith.addi %select_n3A_655, %add3A_731 : vector<16xi32>
        %ge3A_733 = arith.constant 200 : i32
        %ge3A_734 = vector.broadcast %ge3A_733 : i32 to vector<16xi32>
        %ge3A_735 = arith.cmpi sge, %add3A_732, %ge3A_734 : vector<16xi32>
        %sub3A_736 = arith.constant 200 : i32
        %sub3A_737 = vector.broadcast %sub3A_736 : i32 to vector<16xi32>
        %sub3A_738 = arith.subi %add3A_732, %sub3A_737 : vector<16xi32>
        %select_n3A_739 = arith.select %ge3A_735, %sub3A_738, %add3A_732 : vector<16xi1>, vector<16xi32>
        %add3A_740 = arith.constant 2 : i32
        %add3A_741 = arith.addi %add3A_659, %add3A_740 : i32
        %mul3A_742 = arith.constant 128 : i32
        %mul3A_743 = arith.muli %add3A_741, %mul3A_742 : i32
        %add3A_744 = arith.constant 16 : i32
        %add3A_745 = arith.addi %mul3A_743, %add3A_744 : i32
        %get3A_746 = arith.index_cast %add3A_745 : i32 to index
        %get3A_747 = tpu.vector_load %arg5[%get3A_746] {strides = array<i32>} : memref<25600xi32, #tpu.memory_space<vmem>>, vector<16xi32>,
        %get3A_748 = vector.shape_cast %get3A_747 : vector<16xi32> to vector<16xi32>
        %add3A_749 = arith.constant 200 : i32
        %add3A_750 = arith.addi %mul3A_4, %add3A_749 : i32
        %add3A_751 = arith.constant 1 : i32
        %add3A_752 = arith.addi %add3A_750, %add3A_751 : i32
        %ne3A_753 = arith.constant 0 : i32
        %ne3A_754 = vector.broadcast %ne3A_753 : i32 to vector<16xi32>
        %ne3A_755 = arith.cmpi ne, %get3A_748, %ne3A_754 : vector<16xi32>
        %add3A_756 = vector.broadcast %mul3A_4 : i32 to vector<16xi32>
        %add3A_757 = arith.addi %add3A_756, %select_n3A_739 : vector<16xi32>
        %broadcast_in_dim3A_758 = vector.broadcast %add3A_752 : i32 to vector<16xi32>
        %select_n3A_759 = arith.select %ne3A_755, %broadcast_in_dim3A_758, %add3A_757 : vector<16xi1>, vector<16xi32>
        %swap3A_760 = arith.constant 16 : index
        %swap3A_761 = tpu.vector_load %arg7[%swap3A_760] {strides = array<i32>} : memref<128xi32, #tpu.memory_space<vmem>>, vector<16xi32>,
        %swap3A_762 = vector.shape_cast %swap3A_761 : vector<16xi32> to vector<16xi32>
        %swap3A_763 = vector.shape_cast %select_n3A_759 : vector<16xi32> to vector<16xi32>
        tpu.vector_store %arg7[%swap3A_760], %swap3A_763 {strides = array<i32>} : memref<128xi32, #tpu.memory_space<vmem>>, vector<16xi32>,
        %add3A_764 = arith.constant 16 : i32
        %add3A_765 = vector.broadcast %add3A_764 : i32 to vector<16xi32>
        %add3A_766 = arith.addi %select_n3A_739, %add3A_765 : vector<16xi32>
        %ge3A_767 = arith.constant 200 : i32
        %ge3A_768 = vector.broadcast %ge3A_767 : i32 to vector<16xi32>
        %ge3A_769 = arith.cmpi sge, %add3A_766, %ge3A_768 : vector<16xi32>
        %sub3A_770 = arith.constant 200 : i32
        %sub3A_771 = vector.broadcast %sub3A_770 : i32 to vector<16xi32>
        %sub3A_772 = arith.subi %add3A_766, %sub3A_771 : vector<16xi32>
        %select_n3A_773 = arith.select %ge3A_769, %sub3A_772, %add3A_766 : vector<16xi1>, vector<16xi32>
        %add3A_774 = arith.constant 2 : i32
        %add3A_775 = arith.addi %add3A_659, %add3A_774 : i32
        %mul3A_776 = arith.constant 128 : i32
        %mul3A_777 = arith.muli %add3A_775, %mul3A_776 : i32
        %add3A_778 = arith.constant 32 : i32
        %add3A_779 = arith.addi %mul3A_777, %add3A_778 : i32
        %get3A_780 = arith.index_cast %add3A_779 : i32 to index
        %get3A_781 = tpu.vector_load %arg5[%get3A_780] {strides = array<i32>} : memref<25600xi32, #tpu.memory_space<vmem>>, vector<16xi32>,
        %get3A_782 = vector.shape_cast %get3A_781 : vector<16xi32> to vector<16xi32>
        %add3A_783 = arith.constant 200 : i32
        %add3A_784 = arith.addi %mul3A_4, %add3A_783 : i32
        %add3A_785 = arith.constant 2 : i32
        %add3A_786 = arith.addi %add3A_784, %add3A_785 : i32
        %ne3A_787 = arith.constant 0 : i32
        %ne3A_788 = vector.broadcast %ne3A_787 : i32 to vector<16xi32>
        %ne3A_789 = arith.cmpi ne, %get3A_782, %ne3A_788 : vector<16xi32>
        %add3A_790 = vector.broadcast %mul3A_4 : i32 to vector<16xi32>
        %add3A_791 = arith.addi %add3A_790, %select_n3A_773 : vector<16xi32>
        %broadcast_in_dim3A_792 = vector.broadcast %add3A_786 : i32 to vector<16xi32>
        %select_n3A_793 = arith.select %ne3A_789, %broadcast_in_dim3A_792, %add3A_791 : vector<16xi1>, vector<16xi32>
        %swap3A_794 = arith.constant 32 : index
        %swap3A_795 = tpu.vector_load %arg7[%swap3A_794] {strides = array<i32>} : memref<128xi32, #tpu.memory_space<vmem>>, vector<16xi32>,
        %swap3A_796 = vector.shape_cast %swap3A_795 : vector<16xi32> to vector<16xi32>
        %swap3A_797 = vector.shape_cast %select_n3A_793 : vector<16xi32> to vector<16xi32>
        tpu.vector_store %arg7[%swap3A_794], %swap3A_797 {strides = array<i32>} : memref<128xi32, #tpu.memory_space<vmem>>, vector<16xi32>,
        %add3A_798 = arith.constant 16 : i32
        %add3A_799 = vector.broadcast %add3A_798 : i32 to vector<16xi32>
        %add3A_800 = arith.addi %select_n3A_773, %add3A_799 : vector<16xi32>
        %ge3A_801 = arith.constant 200 : i32
        %ge3A_802 = vector.broadcast %ge3A_801 : i32 to vector<16xi32>
        %ge3A_803 = arith.cmpi sge, %add3A_800, %ge3A_802 : vector<16xi32>
        %sub3A_804 = arith.constant 200 : i32
        %sub3A_805 = vector.broadcast %sub3A_804 : i32 to vector<16xi32>
        %sub3A_806 = arith.subi %add3A_800, %sub3A_805 : vector<16xi32>
        %select_n3A_807 = arith.select %ge3A_803, %sub3A_806, %add3A_800 : vector<16xi1>, vector<16xi32>
        %add3A_808 = arith.constant 2 : i32
        %add3A_809 = arith.addi %add3A_659, %add3A_808 : i32
        %mul3A_810 = arith.constant 128 : i32
        %mul3A_811 = arith.muli %add3A_809, %mul3A_810 : i32
        %add3A_812 = arith.constant 48 : i32
        %add3A_813 = arith.addi %mul3A_811, %add3A_812 : i32
        %get3A_814 = arith.index_cast %add3A_813 : i32 to index
        %get3A_815 = tpu.vector_load %arg5[%get3A_814] {strides = array<i32>} : memref<25600xi32, #tpu.memory_space<vmem>>, vector<16xi32>,
        %get3A_816 = vector.shape_cast %get3A_815 : vector<16xi32> to vector<16xi32>
        %add3A_817 = arith.constant 200 : i32
        %add3A_818 = arith.addi %mul3A_4, %add3A_817 : i32
        %add3A_819 = arith.constant 3 : i32
        %add3A_820 = arith.addi %add3A_818, %add3A_819 : i32
        %ne3A_821 = arith.constant 0 : i32
        %ne3A_822 = vector.broadcast %ne3A_821 : i32 to vector<16xi32>
        %ne3A_823 = arith.cmpi ne, %get3A_816, %ne3A_822 : vector<16xi32>
        %add3A_824 = vector.broadcast %mul3A_4 : i32 to vector<16xi32>
        %add3A_825 = arith.addi %add3A_824, %select_n3A_807 : vector<16xi32>
        %broadcast_in_dim3A_826 = vector.broadcast %add3A_820 : i32 to vector<16xi32>
        %select_n3A_827 = arith.select %ne3A_823, %broadcast_in_dim3A_826, %add3A_825 : vector<16xi1>, vector<16xi32>
        %swap3A_828 = arith.constant 48 : index
        %swap3A_829 = tpu.vector_load %arg7[%swap3A_828] {strides = array<i32>} : memref<128xi32, #tpu.memory_space<vmem>>, vector<16xi32>,
        %swap3A_830 = vector.shape_cast %swap3A_829 : vector<16xi32> to vector<16xi32>
        %swap3A_831 = vector.shape_cast %select_n3A_827 : vector<16xi32> to vector<16xi32>
        tpu.vector_store %arg7[%swap3A_828], %swap3A_831 {strides = array<i32>} : memref<128xi32, #tpu.memory_space<vmem>>, vector<16xi32>,
        %add3A_832 = arith.constant 16 : i32
        %add3A_833 = vector.broadcast %add3A_832 : i32 to vector<16xi32>
        %add3A_834 = arith.addi %select_n3A_807, %add3A_833 : vector<16xi32>
        %ge3A_835 = arith.constant 200 : i32
        %ge3A_836 = vector.broadcast %ge3A_835 : i32 to vector<16xi32>
        %ge3A_837 = arith.cmpi sge, %add3A_834, %ge3A_836 : vector<16xi32>
        %sub3A_838 = arith.constant 200 : i32
        %sub3A_839 = vector.broadcast %sub3A_838 : i32 to vector<16xi32>
        %sub3A_840 = arith.subi %add3A_834, %sub3A_839 : vector<16xi32>
        %select_n3A_841 = arith.select %ge3A_837, %sub3A_840, %add3A_834 : vector<16xi1>, vector<16xi32>
        %add3A_842 = arith.constant 2 : i32
        %add3A_843 = arith.addi %add3A_659, %add3A_842 : i32
        %mul3A_844 = arith.constant 128 : i32
        %mul3A_845 = arith.muli %add3A_843, %mul3A_844 : i32
        %add3A_846 = arith.constant 64 : i32
        %add3A_847 = arith.addi %mul3A_845, %add3A_846 : i32
        %get3A_848 = arith.index_cast %add3A_847 : i32 to index
        %get3A_849 = tpu.vector_load %arg5[%get3A_848] {strides = array<i32>} : memref<25600xi32, #tpu.memory_space<vmem>>, vector<16xi32>,
        %get3A_850 = vector.shape_cast %get3A_849 : vector<16xi32> to vector<16xi32>
        %add3A_851 = arith.constant 200 : i32
        %add3A_852 = arith.addi %mul3A_4, %add3A_851 : i32
        %add3A_853 = arith.constant 4 : i32
        %add3A_854 = arith.addi %add3A_852, %add3A_853 : i32
        %ne3A_855 = arith.constant 0 : i32
        %ne3A_856 = vector.broadcast %ne3A_855 : i32 to vector<16xi32>
        %ne3A_857 = arith.cmpi ne, %get3A_850, %ne3A_856 : vector<16xi32>
        %add3A_858 = vector.broadcast %mul3A_4 : i32 to vector<16xi32>
        %add3A_859 = arith.addi %add3A_858, %select_n3A_841 : vector<16xi32>
        %broadcast_in_dim3A_860 = vector.broadcast %add3A_854 : i32 to vector<16xi32>
        %select_n3A_861 = arith.select %ne3A_857, %broadcast_in_dim3A_860, %add3A_859 : vector<16xi1>, vector<16xi32>
        %swap3A_862 = arith.constant 64 : index
        %swap3A_863 = tpu.vector_load %arg7[%swap3A_862] {strides = array<i32>} : memref<128xi32, #tpu.memory_space<vmem>>, vector<16xi32>,
        %swap3A_864 = vector.shape_cast %swap3A_863 : vector<16xi32> to vector<16xi32>
        %swap3A_865 = vector.shape_cast %select_n3A_861 : vector<16xi32> to vector<16xi32>
        tpu.vector_store %arg7[%swap3A_862], %swap3A_865 {strides = array<i32>} : memref<128xi32, #tpu.memory_space<vmem>>, vector<16xi32>,
        %add3A_866 = arith.constant 16 : i32
        %add3A_867 = vector.broadcast %add3A_866 : i32 to vector<16xi32>
        %add3A_868 = arith.addi %select_n3A_841, %add3A_867 : vector<16xi32>
        %ge3A_869 = arith.constant 200 : i32
        %ge3A_870 = vector.broadcast %ge3A_869 : i32 to vector<16xi32>
        %ge3A_871 = arith.cmpi sge, %add3A_868, %ge3A_870 : vector<16xi32>
        %sub3A_872 = arith.constant 200 : i32
        %sub3A_873 = vector.broadcast %sub3A_872 : i32 to vector<16xi32>
        %sub3A_874 = arith.subi %add3A_868, %sub3A_873 : vector<16xi32>
        %select_n3A_875 = arith.select %ge3A_871, %sub3A_874, %add3A_868 : vector<16xi1>, vector<16xi32>
        %add3A_876 = arith.constant 2 : i32
        %add3A_877 = arith.addi %add3A_659, %add3A_876 : i32
        %mul3A_878 = arith.constant 128 : i32
        %mul3A_879 = arith.muli %add3A_877, %mul3A_878 : i32
        %add3A_880 = arith.constant 80 : i32
        %add3A_881 = arith.addi %mul3A_879, %add3A_880 : i32
        %get3A_882 = arith.index_cast %add3A_881 : i32 to index
        %get3A_883 = tpu.vector_load %arg5[%get3A_882] {strides = array<i32>} : memref<25600xi32, #tpu.memory_space<vmem>>, vector<16xi32>,
        %get3A_884 = vector.shape_cast %get3A_883 : vector<16xi32> to vector<16xi32>
        %add3A_885 = arith.constant 200 : i32
        %add3A_886 = arith.addi %mul3A_4, %add3A_885 : i32
        %add3A_887 = arith.constant 5 : i32
        %add3A_888 = arith.addi %add3A_886, %add3A_887 : i32
        %ne3A_889 = arith.constant 0 : i32
        %ne3A_890 = vector.broadcast %ne3A_889 : i32 to vector<16xi32>
        %ne3A_891 = arith.cmpi ne, %get3A_884, %ne3A_890 : vector<16xi32>
        %add3A_892 = vector.broadcast %mul3A_4 : i32 to vector<16xi32>
        %add3A_893 = arith.addi %add3A_892, %select_n3A_875 : vector<16xi32>
        %broadcast_in_dim3A_894 = vector.broadcast %add3A_888 : i32 to vector<16xi32>
        %select_n3A_895 = arith.select %ne3A_891, %broadcast_in_dim3A_894, %add3A_893 : vector<16xi1>, vector<16xi32>
        %swap3A_896 = arith.constant 80 : index
        %swap3A_897 = tpu.vector_load %arg7[%swap3A_896] {strides = array<i32>} : memref<128xi32, #tpu.memory_space<vmem>>, vector<16xi32>,
        %swap3A_898 = vector.shape_cast %swap3A_897 : vector<16xi32> to vector<16xi32>
        %swap3A_899 = vector.shape_cast %select_n3A_895 : vector<16xi32> to vector<16xi32>
        tpu.vector_store %arg7[%swap3A_896], %swap3A_899 {strides = array<i32>} : memref<128xi32, #tpu.memory_space<vmem>>, vector<16xi32>,
        %add3A_900 = arith.constant 16 : i32
        %add3A_901 = vector.broadcast %add3A_900 : i32 to vector<16xi32>
        %add3A_902 = arith.addi %select_n3A_875, %add3A_901 : vector<16xi32>
        %ge3A_903 = arith.constant 200 : i32
        %ge3A_904 = vector.broadcast %ge3A_903 : i32 to vector<16xi32>
        %ge3A_905 = arith.cmpi sge, %add3A_902, %ge3A_904 : vector<16xi32>
        %sub3A_906 = arith.constant 200 : i32
        %sub3A_907 = vector.broadcast %sub3A_906 : i32 to vector<16xi32>
        %sub3A_908 = arith.subi %add3A_902, %sub3A_907 : vector<16xi32>
        %select_n3A_909 = arith.select %ge3A_905, %sub3A_908, %add3A_902 : vector<16xi1>, vector<16xi32>
        %add3A_910 = arith.constant 2 : i32
        %add3A_911 = arith.addi %add3A_659, %add3A_910 : i32
        %mul3A_912 = arith.constant 128 : i32
        %mul3A_913 = arith.muli %add3A_911, %mul3A_912 : i32
        %add3A_914 = arith.constant 96 : i32
        %add3A_915 = arith.addi %mul3A_913, %add3A_914 : i32
        %get3A_916 = arith.index_cast %add3A_915 : i32 to index
        %get3A_917 = tpu.vector_load %arg5[%get3A_916] {strides = array<i32>} : memref<25600xi32, #tpu.memory_space<vmem>>, vector<16xi32>,
        %get3A_918 = vector.shape_cast %get3A_917 : vector<16xi32> to vector<16xi32>
        %add3A_919 = arith.constant 200 : i32
        %add3A_920 = arith.addi %mul3A_4, %add3A_919 : i32
        %add3A_921 = arith.constant 6 : i32
        %add3A_922 = arith.addi %add3A_920, %add3A_921 : i32
        %ne3A_923 = arith.constant 0 : i32
        %ne3A_924 = vector.broadcast %ne3A_923 : i32 to vector<16xi32>
        %ne3A_925 = arith.cmpi ne, %get3A_918, %ne3A_924 : vector<16xi32>
        %add3A_926 = vector.broadcast %mul3A_4 : i32 to vector<16xi32>
        %add3A_927 = arith.addi %add3A_926, %select_n3A_909 : vector<16xi32>
        %broadcast_in_dim3A_928 = vector.broadcast %add3A_922 : i32 to vector<16xi32>
        %select_n3A_929 = arith.select %ne3A_925, %broadcast_in_dim3A_928, %add3A_927 : vector<16xi1>, vector<16xi32>
        %swap3A_930 = arith.constant 96 : index
        %swap3A_931 = tpu.vector_load %arg7[%swap3A_930] {strides = array<i32>} : memref<128xi32, #tpu.memory_space<vmem>>, vector<16xi32>,
        %swap3A_932 = vector.shape_cast %swap3A_931 : vector<16xi32> to vector<16xi32>
        %swap3A_933 = vector.shape_cast %select_n3A_929 : vector<16xi32> to vector<16xi32>
        tpu.vector_store %arg7[%swap3A_930], %swap3A_933 {strides = array<i32>} : memref<128xi32, #tpu.memory_space<vmem>>, vector<16xi32>,
        %add3A_934 = arith.constant 16 : i32
        %add3A_935 = vector.broadcast %add3A_934 : i32 to vector<16xi32>
        %add3A_936 = arith.addi %select_n3A_909, %add3A_935 : vector<16xi32>
        %ge3A_937 = arith.constant 200 : i32
        %ge3A_938 = vector.broadcast %ge3A_937 : i32 to vector<16xi32>
        %ge3A_939 = arith.cmpi sge, %add3A_936, %ge3A_938 : vector<16xi32>
        %sub3A_940 = arith.constant 200 : i32
        %sub3A_941 = vector.broadcast %sub3A_940 : i32 to vector<16xi32>
        %sub3A_942 = arith.subi %add3A_936, %sub3A_941 : vector<16xi32>
        %select_n3A_943 = arith.select %ge3A_939, %sub3A_942, %add3A_936 : vector<16xi1>, vector<16xi32>
        %add3A_944 = arith.constant 2 : i32
        %add3A_945 = arith.addi %add3A_659, %add3A_944 : i32
        %mul3A_946 = arith.constant 128 : i32
        %mul3A_947 = arith.muli %add3A_945, %mul3A_946 : i32
        %add3A_948 = arith.constant 112 : i32
        %add3A_949 = arith.addi %mul3A_947, %add3A_948 : i32
        %get3A_950 = arith.index_cast %add3A_949 : i32 to index
        %get3A_951 = tpu.vector_load %arg5[%get3A_950] {strides = array<i32>} : memref<25600xi32, #tpu.memory_space<vmem>>, vector<16xi32>,
        %get3A_952 = vector.shape_cast %get3A_951 : vector<16xi32> to vector<16xi32>
        %add3A_953 = arith.constant 200 : i32
        %add3A_954 = arith.addi %mul3A_4, %add3A_953 : i32
        %add3A_955 = arith.constant 7 : i32
        %add3A_956 = arith.addi %add3A_954, %add3A_955 : i32
        %ne3A_957 = arith.constant 0 : i32
        %ne3A_958 = vector.broadcast %ne3A_957 : i32 to vector<16xi32>
        %ne3A_959 = arith.cmpi ne, %get3A_952, %ne3A_958 : vector<16xi32>
        %add3A_960 = vector.broadcast %mul3A_4 : i32 to vector<16xi32>
        %add3A_961 = arith.addi %add3A_960, %select_n3A_943 : vector<16xi32>
        %broadcast_in_dim3A_962 = vector.broadcast %add3A_956 : i32 to vector<16xi32>
        %select_n3A_963 = arith.select %ne3A_959, %broadcast_in_dim3A_962, %add3A_961 : vector<16xi1>, vector<16xi32>
        %swap3A_964 = arith.constant 112 : index
        %swap3A_965 = tpu.vector_load %arg7[%swap3A_964] {strides = array<i32>} : memref<128xi32, #tpu.memory_space<vmem>>, vector<16xi32>,
        %swap3A_966 = vector.shape_cast %swap3A_965 : vector<16xi32> to vector<16xi32>
        %swap3A_967 = vector.shape_cast %select_n3A_963 : vector<16xi32> to vector<16xi32>
        tpu.vector_store %arg7[%swap3A_964], %swap3A_967 {strides = array<i32>} : memref<128xi32, #tpu.memory_space<vmem>>, vector<16xi32>,
        %add3A_968 = arith.constant 16 : i32
        %add3A_969 = vector.broadcast %add3A_968 : i32 to vector<16xi32>
        %add3A_970 = arith.addi %select_n3A_943, %add3A_969 : vector<16xi32>
        %ge3A_971 = arith.constant 200 : i32
        %ge3A_972 = vector.broadcast %ge3A_971 : i32 to vector<16xi32>
        %ge3A_973 = arith.cmpi sge, %add3A_970, %ge3A_972 : vector<16xi32>
        %sub3A_974 = arith.constant 200 : i32
        %sub3A_975 = vector.broadcast %sub3A_974 : i32 to vector<16xi32>
        %sub3A_976 = arith.subi %add3A_970, %sub3A_975 : vector<16xi32>
        %select_n3A_977 = arith.select %ge3A_973, %sub3A_976, %add3A_970 : vector<16xi1>, vector<16xi32>
        %add3A_978 = arith.constant 2 : i32
        %add3A_979 = arith.addi %add3A_659, %add3A_978 : i32
        %dma_start3A_980 = arith.constant 1 : i32
        %dma_start3A_981 = arith.constant 0 : i32
        %dma_start3A_982 = arith.constant 0 : i32
        %dma_start3A_983 = tpu.memref_slice %arg10[%dma_start3A_980, %dma_start3A_981, %dma_start3A_982] : memref<4x128x128xf32, #tpu.memory_space<vmem>> -> memref<1x128x128xf32, #tpu.memory_space<vmem>>
        %dma_start3A_984 = tpu.memref_squeeze %dma_start3A_983 : memref<1x128x128xf32, #tpu.memory_space<vmem>> -> memref<128x128xf32, #tpu.memory_space<vmem>>
        %dma_start3A_985 = arith.constant 0 : i32
        %dma_start3A_986 = arith.constant 0 : i32
        %dma_start3A_987 = tpu.memref_slice %arg11[%dma_start3A_985, %dma_start3A_986] : memref<3328x128xf32, #tpu.memory_space<vmem_shared>> -> memref<3328x128xf32, #tpu.memory_space<vmem_shared>>
        tpu.enqueue_indirect_dma source(%dma_start3A_987 : memref<3328x128xf32, #tpu.memory_space<vmem_shared>>) target(%dma_start3A_984 : memref<128x128xf32, #tpu.memory_space<vmem>>) offsets(%arg7 : memref<128xi32, #tpu.memory_space<vmem>>) semaphore(%arg13 : memref<!tpu.dma_semaphore, #tpu.memory_space<semaphore_mem>>)
      } else {
      }
      %dma_wait3A_672 = arith.constant 3 : i32
      %dma_wait3A_673 = arith.constant 0 : i32
      %dma_wait3A_674 = arith.constant 0 : i32
      %dma_wait3A_675 = tpu.memref_slice %arg10[%dma_wait3A_672, %dma_wait3A_673, %dma_wait3A_674] : memref<4x128x128xf32, #tpu.memory_space<vmem>> -> memref<1x128x128xf32, #tpu.memory_space<vmem>>
      %dma_wait3A_676 = tpu.memref_squeeze %dma_wait3A_675 : memref<1x128x128xf32, #tpu.memory_space<vmem>> -> memref<128x128xf32, #tpu.memory_space<vmem>>
      %dma_wait3A_677 = arith.constant 0 : i32
      %dma_wait3A_678 = arith.constant 0 : i32
      %dma_wait3A_679 = tpu.memref_slice %arg3[%dma_wait3A_677, %dma_wait3A_678] : memref<6656x128xf32, #tpu.memory_space<hbm>> -> memref<6656x128xf32, #tpu.memory_space<hbm>>
      tpu.wait_indirect_dma semaphore(%arg15 : memref<!tpu.dma_semaphore, #tpu.memory_space<semaphore_mem>>) src(%dma_wait3A_679 : memref<6656x128xf32, #tpu.memory_space<hbm>>) dst(%dma_wait3A_676 : memref<128x128xf32, #tpu.memory_space<vmem>>)
      %mul3A_680 = arith.constant 128 : i32
      %mul3A_681 = arith.muli %add3A_659, %mul3A_680 : i32
      %add3A_682 = arith.addi %mul3A_2, %mul3A_681 : i32
      %dma_start3A_683 = arith.constant 3 : i32
      %dma_start3A_684 = arith.constant 0 : i32
      %dma_start3A_685 = arith.constant 0 : i32
      %dma_start3A_686 = tpu.memref_slice %arg10[%dma_start3A_683, %dma_start3A_684, %dma_start3A_685] : memref<4x128x128xf32, #tpu.memory_space<vmem>> -> memref<1x128x128xf32, #tpu.memory_space<vmem>>
      %dma_start3A_687 = tpu.memref_squeeze %dma_start3A_686 : memref<1x128x128xf32, #tpu.memory_space<vmem>> -> memref<128x128xf32, #tpu.memory_space<vmem>>
      %dma_start3A_688 = arith.constant 0 : i32
      %dma_start3A_689 = tpu.memref_slice %arg4[%add3A_682, %dma_start3A_688] : memref<819200x128xf32, #tpu.memory_space<hbm>> -> memref<128x128xf32, #tpu.memory_space<hbm>>
      %dma_start3A_690 = arith.constant 0 : i32
      %dma_start3A_691 = tpu.memref_slice %arg4[%add3A_682, %dma_start3A_690] : memref<819200x128xf32, #tpu.memory_space<hbm>> -> memref<128x128xf32, #tpu.memory_space<hbm>>
      %dma_start3A_692 = arith.constant 0 : i32
      %dma_start3A_693 = arith.constant 0 : i32
      %dma_start3A_694 = tpu.memref_slice %arg10[%dma_start3A_683, %dma_start3A_692, %dma_start3A_693] : memref<4x128x128xf32, #tpu.memory_space<vmem>> -> memref<1x128x128xf32, #tpu.memory_space<vmem>>
      %dma_start3A_695 = tpu.memref_squeeze %dma_start3A_694 : memref<1x128x128xf32, #tpu.memory_space<vmem>> -> memref<128x128xf32, #tpu.memory_space<vmem>>
      tpu.enqueue_dma source(%dma_start3A_695 : memref<128x128xf32, #tpu.memory_space<vmem>>) target(%dma_start3A_691 : memref<128x128xf32, #tpu.memory_space<hbm>>) target_semaphore(%arg19 : memref<!tpu.dma_semaphore, #tpu.memory_space<semaphore_mem>>)
      %add3A_696 = arith.constant 128 : i32
      %add3A_697 = vector.broadcast %add3A_696 : i32 to vector<16xi32>
      %add3A_698 = arith.addi %select_n3A_655, %add3A_697 : vector<16xi32>
      %ge3A_699 = arith.constant 200 : i32
      %ge3A_700 = vector.broadcast %ge3A_699 : i32 to vector<16xi32>
      %ge3A_701 = arith.cmpi sge, %add3A_698, %ge3A_700 : vector<16xi32>
      %sub3A_702 = arith.constant 200 : i32
      %sub3A_703 = vector.broadcast %sub3A_702 : i32 to vector<16xi32>
      %sub3A_704 = arith.subi %add3A_698, %sub3A_703 : vector<16xi32>
      %select_n3A_705 = arith.select %ge3A_701, %sub3A_704, %add3A_698 : vector<16xi1>, vector<16xi32>
      scf.yield %select_n3A_705 : vector<16xi32>
    }
    %scan3A_480 = arith.constant 50 : i32
    %dma_wait3A_481 = arith.constant 2 : i32
    %dma_wait3A_482 = arith.constant 0 : i32
    %dma_wait3A_483 = arith.constant 0 : i32
    %dma_wait3A_484 = tpu.memref_slice %arg10[%dma_wait3A_481, %dma_wait3A_482, %dma_wait3A_483] : memref<4x128x128xf32, #tpu.memory_space<vmem>> -> memref<1x128x128xf32, #tpu.memory_space<vmem>>
    %dma_wait3A_485 = tpu.memref_squeeze %dma_wait3A_484 : memref<1x128x128xf32, #tpu.memory_space<vmem>> -> memref<128x128xf32, #tpu.memory_space<vmem>>
    %dma_wait3A_486 = arith.constant 0 : i32
    %dma_wait3A_487 = tpu.memref_slice %arg4[%mul3A_2, %dma_wait3A_486] : memref<819200x128xf32, #tpu.memory_space<hbm>> -> memref<128x128xf32, #tpu.memory_space<hbm>>
    %dma_wait3A_488 = arith.constant 0 : i32
    %dma_wait3A_489 = tpu.memref_slice %arg4[%mul3A_2, %dma_wait3A_488] : memref<819200x128xf32, #tpu.memory_space<hbm>> -> memref<128x128xf32, #tpu.memory_space<hbm>>
    %dma_wait3A_490 = arith.constant 0 : i32
    %dma_wait3A_491 = arith.constant 0 : i32
    %dma_wait3A_492 = tpu.memref_slice %arg10[%dma_wait3A_481, %dma_wait3A_490, %dma_wait3A_491] : memref<4x128x128xf32, #tpu.memory_space<vmem>> -> memref<1x128x128xf32, #tpu.memory_space<vmem>>
    %dma_wait3A_493 = tpu.memref_squeeze %dma_wait3A_492 : memref<1x128x128xf32, #tpu.memory_space<vmem>> -> memref<128x128xf32, #tpu.memory_space<vmem>>
    tpu.wait_dma2 semaphore(%arg18 : memref<!tpu.dma_semaphore, #tpu.memory_space<semaphore_mem>>) src(%dma_wait3A_493 : memref<128x128xf32, #tpu.memory_space<vmem>>) dst(%dma_wait3A_489 : memref<128x128xf32, #tpu.memory_space<hbm>>)
    %dma_wait3A_494 = arith.constant 3 : i32
    %dma_wait3A_495 = arith.constant 0 : i32
    %dma_wait3A_496 = arith.constant 0 : i32
    %dma_wait3A_497 = tpu.memref_slice %arg10[%dma_wait3A_494, %dma_wait3A_495, %dma_wait3A_496] : memref<4x128x128xf32, #tpu.memory_space<vmem>> -> memref<1x128x128xf32, #tpu.memory_space<vmem>>
    %dma_wait3A_498 = tpu.memref_squeeze %dma_wait3A_497 : memref<1x128x128xf32, #tpu.memory_space<vmem>> -> memref<128x128xf32, #tpu.memory_space<vmem>>
    %dma_wait3A_499 = arith.constant 0 : i32
    %dma_wait3A_500 = tpu.memref_slice %arg4[%mul3A_2, %dma_wait3A_499] : memref<819200x128xf32, #tpu.memory_space<hbm>> -> memref<128x128xf32, #tpu.memory_space<hbm>>
    %dma_wait3A_501 = arith.constant 0 : i32
    %dma_wait3A_502 = tpu.memref_slice %arg4[%mul3A_2, %dma_wait3A_501] : memref<819200x128xf32, #tpu.memory_space<hbm>> -> memref<128x128xf32, #tpu.memory_space<hbm>>
    %dma_wait3A_503 = arith.constant 0 : i32
    %dma_wait3A_504 = arith.constant 0 : i32
    %dma_wait3A_505 = tpu.memref_slice %arg10[%dma_wait3A_494, %dma_wait3A_503, %dma_wait3A_504] : memref<4x128x128xf32, #tpu.memory_space<vmem>> -> memref<1x128x128xf32, #tpu.memory_space<vmem>>
    %dma_wait3A_506 = tpu.memref_squeeze %dma_wait3A_505 : memref<1x128x128xf32, #tpu.memory_space<vmem>> -> memref<128x128xf32, #tpu.memory_space<vmem>>
    tpu.wait_dma2 semaphore(%arg19 : memref<!tpu.dma_semaphore, #tpu.memory_space<semaphore_mem>>) src(%dma_wait3A_506 : memref<128x128xf32, #tpu.memory_space<vmem>>) dst(%dma_wait3A_502 : memref<128x128xf32, #tpu.memory_space<hbm>>)
    return
  }
}

</mosaic_0001>

<sc_bundles>
// kernel: kernel.3.cloned.1.call-start
scs
__scs_entry_jumppad:
0x0: {  	(pc) =	sbr.rel $0x88, $3  }
0x1: {  	(tag) =	ssettag $0x0;
	lr =	simm.s32 $0x1  }
0x2: {  	[smem:$0x3F9F] =	sst lr;
	_ =	strace $0xD0000000  }
0x3: {  	_ = 	snop  }
0x4: {  	_ = 	snop  }
0x5: {  	_ = 	snop  }
0x6: {  	_ = 	snop  }
0x7: {  	_ = 	snop  }
__scs_overlays_trampoline_lowered:
0x8: {  	[smem:$0x3FAE] =	sst s0  }
0x9: {  	[smem:$0x3FAF] =	sst s1  }
0xa: {  	[smem:$0x3FB0] =	sst s2  }
0xb: {  	[smem:$0x3FB1] =	sst s3  }
0xc: {  	[smem:$0x3FB2] =	sst s4  }
0xd: {  	[smem:$0x3FB3] =	sst s5  }
0xe: {  	[smem:$0x3FB4] =	sst s6  }
0xf: {  	[smem:$0x3FB5] =	sst s7  }
0x10: {  	[smem:$0x3FB6] =	sst s8  }
0x11: {  	[smem:$0x3FB7] =	sst s9;
	s0 =	simm.s32 @!p0 $0x0  }
0x12: {  	s1 =	sld [smem:$0x3F9D];
	s0 =	simm.s32 @p0 $0x1  }
0x13: {  	[smem:$0x3FB8] =	sst s0;
	s0 =	simm.s32 @!p1 $0x0  }
0x14: {  	s2 =	sld [smem:$0x3F9C];
	s0 =	simm.s32 @p1 $0x1  }
0x15: {  	[smem:$0x3FB9] =	sst s0;
	s0 =	simm.s32 @!p2 $0x0  }
0x16: {  	s3 =	sld [smem:$0x3FDB];
	s0 =	simm.s32 @p2 $0x1  }
0x17: {  	s4 =	simm.s32 $0x1BF5;
	[smem:$0x3FBB] =	sst s0  }
0x18: {  	s0 =	sld [smem:$0x3F9E];
	_ =	swait.ge [sflag:s4], $0x0  }
0x19: {  	s7 =	sld [smem:$0x3F9F]  }
0x1a: {  	s8 =	sadd.s32 $0xFFFFE003, lr  }
0x1b: {  	s9 =	sadd.s32 $0xFFFFFEF7, lr;
	s5 =	simm.s32 $0xFFFFFFFF;
	p2 =	slt.u32 s8, $0xFFFFF086  }
0x1c: {  	p1 =	slt.u32 s9, $0xF7A;
	s5 =	simm.s32 @!p2 $0x0  }
0x1d: {  	s5 =	simm.s32 @p1 $0x1;
	p0 =	seq.s32 s7, s2  }
0x1e: {  	s7 =	smul.u32 @!p0 $0xF7A, s2;
	p2 =	seq.s32 @!p0 s5, $0x0  }
0x1f: {  	s9 =	smul.u32 $0xF7A, s1;
	s8 =	simm.s32 @!p0 $0x1BF5;
	p2 =	por !p2, p0  }
0x20: {  	[sflag:s8] =	ssyncset.s32 @!p0 $0xFFFFF086;
	s6 =	sadd.s32 @!p0 s3, s7;
	s7 =	simm.s32 @!p0 $0x108  }
0x21: {  	s3 =	sadd.s32 s3, s9;
	s6 =	sadd.s32 @!p0 $0x88, s6;
	s7 =	simm.s32 @p2 $0x1082  }
0x22: {  	[simem:s7], [sflag:s8] =	dma.local @!p0 [hbm:s6], $0xF7A  }
0x23: {  	s9 =	sor.u32 $0xD0000000, s2;
	s6 =	simm.s32 $0x108;
	_ =	swait.ge @!p0 [sflag:s8], $0x0  }
0x24: {  	s3 =	sadd.s32 $0x88, s3;
	s6 =	simm.s32 @!p1 $0x1082;
	[sflag:s4] =	ssyncset.s32 $0xFFFFF086  }
0x25: {  	[simem:s6], [sflag:s4] =	dma.local [hbm:s3], $0xF7A  }
0x26: {  	[smem:$0x3F9F] =	sst s1;
	(tag) =	ssettag s2;
	_ =	strace s9  }
0x27: {  	s1 =	sld [smem:$0x3FAF]  }
0x28: {  	s2 =	sld [smem:$0x3FB0]  }
0x29: {  	s4 =	sld [smem:$0x3FB2]  }
0x2a: {  	p0 =	seq.s32 s5, $0x0;
	s5 =	sld [smem:$0x3FB3]  }
0x2b: {  	s6 =	sld [smem:$0x3FB4]  }
0x2c: {  	s7 =	sld [smem:$0x3FB5]  }
0x2d: {  	s3 =	simm.s32 $0x108;
	s8 =	sld [smem:$0x3FB6]  }
0x2e: {  	s3 =	simm.s32 @!p0 $0x1082;
	s9 =	sld [smem:$0x3FB7]  }
0x2f: {  	lr =	sadd.s32 s0, s3;
	s0 =	sld [smem:$0x3FAE]  }
0x30: {  	s3 =	sld [smem:$0x3FB1]  }
0x31: {  	[smem:$0x3FBA] =	sst s10  }
0x32: {  	s10 =	sld [smem:$0x3FB8];
	_ =	sdelay $0x3  }
0x33: {  	p0 =	seq.s32 s10, $0x1;
	s10 =	sld [smem:$0x3FBA];
	_ =	sdelay $0x3  }
0x34: {  	[smem:$0x3FBA] =	sst s10  }
0x35: {  	s10 =	sld [smem:$0x3FB9];
	_ =	sdelay $0x3  }
0x36: {  	p1 =	seq.s32 s10, $0x1;
	s10 =	sld [smem:$0x3FBA];
	_ =	sdelay $0x3  }
0x37: {  	[smem:$0x3FBA] =	sst s10  }
0x38: {  	s10 =	sld [smem:$0x3FBB]  }
0x39: {  	_ = 	snop;
	(pc) =	sbr.ind lr, $3  }
0x3a: {  	_ = 	snop  }
0x3b: {  	_ = 	snop  }
0x3c: {  	p2 =	seq.s32 s10, $0x1;
	s10 =	sld [smem:$0x3FBA]  }
0x3d: {  	_ =	shalt  }
0x3e: {  	_ =	shalt  }
0x3f: {  	_ =	shalt  }
0x40: {  	_ =	shalt  }
0x41: {  	_ =	shalt  }
0x42: {  	_ =	shalt  }
0x43: {  	_ =	shalt  }
0x44: {  	_ =	shalt  }
0x45: {  	_ =	shalt  }
0x46: {  	_ =	shalt  }
0x47: {  	_ =	shalt  }
0x48: {  	_ =	shalt  }
0x49: {  	_ =	shalt  }
0x4a: {  	_ =	shalt  }
0x4b: {  	_ =	shalt  }
0x4c: {  	_ =	shalt  }
0x4d: {  	_ =	shalt  }
0x4e: {  	_ =	shalt  }
0x4f: {  	_ =	shalt  }
0x50: {  	_ =	shalt  }
0x51: {  	_ =	shalt  }
0x52: {  	_ =	shalt  }
0x53: {  	_ =	shalt  }
0x54: {  	_ =	shalt  }
0x55: {  	_ =	shalt  }
0x56: {  	_ =	shalt  }
0x57: {  	_ =	shalt  }
0x58: {  	_ =	shalt  }
0x59: {  	_ =	shalt  }
0x5a: {  	_ =	shalt  }
0x5b: {  	_ =	shalt  }
0x5c: {  	_ =	shalt  }
0x5d: {  	_ =	shalt  }
0x5e: {  	_ =	shalt  }
0x5f: {  	_ =	shalt  }
0x60: {  	_ =	shalt  }
0x61: {  	_ =	shalt  }
0x62: {  	_ =	shalt  }
0x63: {  	_ =	shalt  }
0x64: {  	_ =	shalt  }
0x65: {  	_ =	shalt  }
0x66: {  	_ =	shalt  }
0x67: {  	_ =	shalt  }
0x68: {  	_ =	shalt  }
0x69: {  	_ =	shalt  }
0x6a: {  	_ =	shalt  }
0x6b: {  	_ =	shalt  }
0x6c: {  	_ =	shalt  }
0x6d: {  	_ =	shalt  }
0x6e: {  	_ =	shalt  }
0x6f: {  	_ =	shalt  }
0x70: {  	_ =	shalt  }
0x71: {  	_ =	shalt  }
0x72: {  	_ =	shalt  }
0x73: {  	_ =	shalt  }
0x74: {  	_ =	shalt  }
0x75: {  	_ =	shalt  }
0x76: {  	_ =	shalt  }
0x77: {  	_ =	shalt  }
0x78: {  	_ =	shalt  }
0x79: {  	_ =	shalt  }
0x7a: {  	_ =	shalt  }
0x7b: {  	_ =	shalt  }
0x7c: {  	_ =	shalt  }
0x7d: {  	_ =	shalt  }
0x7e: {  	_ =	shalt  }
0x7f: {  	_ =	shalt  }
0x80: {  	_ =	shalt  }
0x81: {  	_ =	shalt  }
0x82: {  	_ =	shalt  }
0x83: {  	_ =	shalt  }
0x84: {  	_ =	shalt  }
0x85: {  	_ =	shalt  }
0x86: {  	_ =	shalt  }
0x87: {  	_ =	shalt  }
.Lfunc_end0:
.L_simem_size_0:
called_computation_lowered:
.L_overlay_start_0:
0x88: {  	s2 =	sld [smem:$0x3FD9]  }
0x89: {  	s3 =	sld [smem:$0x3FFE];
	_ =	sdelay $0x1  }
0x8a: {  	s1 =	srdreg.scid  }
0x8b: {  	s0 =	sand.u32 $0x1, s1  }
0x8c: {  	s17 =	sshll.u32 s0, $0xA;
	s2 =	sadd.s32 s3, s2  }
0x8d: {  	s2 =	sadd.s32 s2, s17  }
0x8e: {  	[smem:$0x3FC6] =	sst s2  }
0x8f: {  	_ = 	snop  }
0x90: {  	s2 =	sld [smem:$0x3FD0];
	(tm) =	ssettm $0x1  }
0x91: {  	s18 =	sld [smem:$0x3FFB];
	_ =	sdelay $0x3  }
0x92: {  	_ =	strace s18  }
0x93: {  	s3 =	sld [smem:$0x3FFC];
	_ =	sdelay $0x3  }
0x94: {  	_ =	strace s3  }
0x95: {  	s3 =	sld [smem:$0x3FFD];
	_ =	sdelay $0x3  }
0x96: {  	_ =	strace s3  }
0x97: {  	_ =	strace $0x8FFFFFFF  }
0x98: {  	s19 =	sld [smem:$0x3FDB];
	_ =	sdelay $0x1  }
0x99: {  	s4 =	simm.s32 $_scs_section_size  }
0x9a: {  	s5 =	simm.s32 $_size__tile_overlayer_lowered;
	s6 =	simm.s32 $_tile_overlayer_lowered  }
0x9b: {  	s22 =	simm.s32 $0x1BFF;
	s21 =	sshll.u32 s6, $0x1;
	s3 =	sadd.s32 s4, s19  }
0x9c: {  	s7 =	simm.s32 $0x0;
	s20 =	sshll.u32 s5, $0x1;
	s5 =	sadd.s32 s21, s3  }
0x9d: {  	[timem:s7], [sflag:s22] =	dma.local [hbm:s5], s20  }
0x9e: {  	_ =	swait.ge [sflag:s22], s20  }
0x9f: {  	s4 =	ssub.s32 $0x0, s20;
	[sflag:s22] =	ssyncset.done $0x0  }
0xa0: {  	[sflag:s22] =	ssyncadd.s32 s4;
	_ =	sdelay $0x1  }
0xa1: {  	s23 =	simm.s32 $0x1B8B  }
0xa2: {  	_ =	swait.ge [sflag:s23], $0x1  }
0xa3: {  	[sflag:s23] =	ssyncset.done $0x0  }
0xa4: {  	s25 =	simm.s32 $0x1B8E;
	s24 =	sld [smem:$0x3FFE];
	[sflag:s23] =	ssyncadd.s32 $0xFFFFFFFF  }
0xa5: {  	s26 =	simm.s32 $execute0_lowered;
	[smem:$0x3FD2] =	sst s25  }
0xa6: {  	s5 =	sshll.u32 s26, $0x1;
	_ =	strace $0x80000046;
	[dreg:$0x1] =	wrdreg $0xFFFFFFFF  }
0xa7: {  	s28 =	simm.s32 $_size_execute0_lowered;
	s3 =	sadd.s32 s3, s5;
	[dreg:$0x0] =	wrdreg $0x0  }
0xa8: {  	s5 =	sshll.u32 s28, $0x1;
	[dreg:$0x2] =	wrdreg s3  }
0xa9: {  	[dreg:$0x3] =	wrdreg s5  }
0xaa: {  	[dreg:$0x4] =	wrdreg $0xC0  }
0xab: {  	_ =	task [dreg:s7], $0x5FFFF  }
0xac: {  	[dreg:$0x1] =	wrdreg $0xFFFFFFFF  }
0xad: {  	[dreg:$0x0] =	wrdreg $0x60  }
0xae: {  	[dreg:$0x2] =	wrdreg s24  }
0xaf: {  	[dreg:$0x3] =	wrdreg s2  }
0xb0: {  	[dreg:$0x4] =	wrdreg $0x166000  }
0xb1: {  	[dreg:$0x5] =	wrdreg $0x9  }
0xb2: {  	_ =	task.clear_ibuf [dreg:s7], $0x6FFFF;
	_ =	strace $0x90000046  }
0xb3: {  	s29 =	simm.s32 $0x9;
	_ =	strace $0x80000048  }
0xb4: {  	_ =	swait.ge [sflag:s29], $0x1  }
0xb5: {  	[sflag:s29] =	ssyncadd.s32 $0xFFFFFFFF  }
0xb6: {  	_ =	strace $0x90000048  }
0xb7: {  	_ =	sfence  }
0xb8: {  	s30 =	sld [smem:$0x0];
	_ =	sdelay $0x2  }
0xb9: {  	s31 =	sshll.u32 s1, $0xD;
	s1 =	sshrl.u32 s1, $0x2  }
0xba: {  	s3 =	sand.u32 $0x4000, s31;
	s1 =	sadd.s32 s1, s30  }
0xbb: {  	s0 =	sor.u32 s3, s0;
	s1 =	sshll.u32 s1, $0x11  }
0xbc: {  	s0 =	sor.u32 s1, s0  }
0xbd: {  	s0 =	sadd.s32 $0x8F2B, s0  }
0xbe: {  	[sflag:s0] =	ssyncadd.remote.s32 $0x1  }
0xbf: {  	_ =	sfence.sel $0xFFFF  }
0xc0: {  	[dreg:$0x0] =	wrdreg $0xFFFFFFFF;
	(pc) =	sbr.abs _section_cstart, $3  }
0xc1: {  	[dreg:$0x1] =	wrdreg $0xFFFFFFFF  }
0xc2: {  	_ =	task.clear_ibuf [dreg:s7], $0x2FFFF;
	_ =	strace $0x9FFFFFFF  }
0xc3: {  	(tm) =	ssettm $0x7FFFFFFF  }
tec
execute0_lowered:
.L_overlay_start_1:
0x0: {  	(tag) =	ssettag $0x1  }
0x1: {  	s4 =	rddreg [dreg:$0x0]  }
0x2: {  	s0 =	srdreg.scid;
	s1 =	rddreg [dreg:$0x1]  }
0x3: {  	s15 =	stileid.u32;
	s2 =	rddreg [dreg:$0x2];
	s3 =	simm.s32 $0x0  }
0x4: {  	s28 =	simm.s32 $0x4;
	s29 =	simm.s32 $0x7;
	s30 =	simm.s32 $0x8  }
0x5: {  	s8 =	sand.u32 $0x1, s0;
	s10 =	sshll.u32 s15, $0x1;
	s9 =	smul.u32 $0x1A000, s15  }
0x6: {  	s31 =	simm.s32 $0x0;
	s23 =	smul.u32 $0xC8000, s15;
	s0 =	sor.u32 s8, s10  }
0x7: {  	[smem:$0x7FF] =	sst s3;
	s16 =	sshll.u32 s15, $0x6;
	s5 =	smul.u32 $0xC80, s0  }
0x8: {  	v14 =	vimm.s32 $0x76543210;
	_ =	strace $0x80000047;
	s7 =	ssub.s32 $0x2, s8;
	s6 =	smul.u32 $0xD00, s0  }
0x9: {  	v25 =	vlaneseq.u32;
	v15 =	vimm.s32 $0xC3C2C1C0;
	v16 =	vimm.s32 $0xC7C6C5C4;
	s0 =	smul.u32 $0xD0, s15;
	s11 =	sshrl.u32 s7, $0x1;
	s12 =	sshrl.u32 s9, $0x2  }
0xa: {  	vm0 =	vcmask $0x1F10;
	v3 =	vor.u32 $0x10, v25;
	v5 =	vor.u32 $0x20, v25;
	s26 =	sadd.s32 s23, s1;
	s23 =	simm.s32 $0x6580;
	s7 =	ssub.s32 s7, s11  }
0xb: {  	v7 =	vor.u32 $0x30, v25;
	v9 =	vor.u32 $0x40, v25;
	v11 =	vor.u32 $0x50, v25;
	s12 =	sadd.s32 s12, s2;
	s11 =	smul.u32 $0x640000, s15;
	s15 =	simm.s32 $0x80  }
0xc: {  	v13 =	vor.u32 $0x60, v25;
	v17 =	vunpack.c.l.s4.s8 v14;
	v18 =	vunpack.c.0.s8.s32 v15;
	s10 =	sadd.s32 s5, s4;
	s4 =	sadd.s32 s6, s4;
	s13 =	sadd.s32 $0xC8, s0  }
0xd: {  	v19 =	vunpack.c.0.s8.s32 v16;
	v15 =	vor.u32 $0x70, v25;
	v20 =	vor.u32 $0x90, v25;
	s14 =	sadd.s32 $0xC9, s0;
	s17 =	sadd.s32 $0xCA, s0;
	s5 =	sor.u32 $0x1C05, s16  }
0xe: {  	v22 =	vadd.s32 $0x8, v25;
	v23 =	vadd.s32 $0x18, v25;
	v24 =	vadd.s32 $0x28, v25;
	s18 =	sadd.s32 $0xCB, s0;
	s19 =	sadd.s32 $0xCC, s0;
	s20 =	sadd.s32 $0xCD, s0  }
0xf: {  	v17 =	vunpack.c.0.s8.s32 v17;
	v18 =	vsel vm0, v19, v18;
	v19 =	vor.u32 $0x80, v25;
	s21 =	sadd.s32 $0xCE, s0;
	s7 =	smax.u32 s7, $0x1;
	s16 =	smul.u32 $0x64000, s8  }
0x10: {  	v0 =	vmov s0;
	v1 =	vor.u32 s0, v25;
	s12 =	sshrl.u32 s12, $0x3;
	s4 =	sadd.s32 $0x19600, s4;
	v2 =	vmov s13;
	s13 =	smul.u32 $0x320000, s8  }
0x11: {  	v3 =	vadd.s32 s0, v3;
	v4 =	vmov s14;
	v6 =	vmov s17;
	s6 =	sadd.s32 $0x600, s10;
	s14 =	sadd.s32 $0xCF, s0;
	s17 =	simm.s32 $0x6600  }
0x12: {  	v8 =	vmov s18;
	v10 =	vmov s19;
	v12 =	vmov s20;
	s18 =	simm.s32 $0x6480;
	s19 =	simm.s32 $0xA600;
	s20 =	simm.s32 $0x6500  }
0x13: {  	v5 =	vadd.s32 s0, v5;
	v14 =	vmov s21;
	s21 =	simm.s32 $0xE600;
	[dreg:$0x4] =	wrdreg s4;
	v16 =	vmov s14;
	s14 =	simm.s32 $0x6  }
0x14: {  	v7 =	vadd.s32 s0, v7;
	v9 =	vadd.s32 s0, v9;
	v11 =	vadd.s32 s0, v11;
	s11 =	sadd.s32 s13, s11;
	s13 =	sadd.s32 s16, s26;
	s16 =	simm.s32 $0x6400  }
.Ltmp0:
0x15: {  	v13 =	vadd.s32 s0, v13;
	v15 =	vadd.s32 s0, v15;
	v21 =	vcombine.low v18, v17;
	s26 =	simm.s32 $0x3;
	s22 =	sor.u32 $0x8000, s11;
	(pc) =	sbr.rel .LBB2_1-.Ltmp0, $4  }
0x16: {  	v17 =	vadd.s32 s0, v19;
	v18 =	vadd.s32 s0, v20;
	v19 =	vor.u32 $0xA0, v25;
	s24 =	sor.u32 $0xC000, s11;
	s11 =	sshrl.u32 s11, $0x3;
	s10 =	sshrl.u32 s22, $0x3  }
0x17: {  	v20 =	vor.u32 $0xB0, v25;
	v22 =	vadd.s32 s0, v22;
	v23 =	vadd.s32 s0, v23;
	s25 =	sshrl.u32 s24, $0x3;
	s22 =	simm.s32 $0x1;
	s24 =	simm.s32 $0x12600  }
0x18: {  	v24 =	vadd.s32 s0, v24;
	v25 =	vadd.s32 $0x38, v25;
	v21 =	vand.u32 $0xFF, v21;
	s8 =	sadd.s32 s10, s1;
	s9 =	sadd.s32 s25, s1;
	s10 =	sadd.s32 s11, s1  }
0x19: {  	v19 =	vadd.s32 s0, v19;
	v20 =	vadd.s32 s0, v20;
	v21 =	vadd.s32 s0, v21;
	s11 =	sadd.s32 $0x800, s13;
	s13 =	simm.s32 $0x5;
	s25 =	simm.s32 $0x2  }
.LBB2_7:
0x1a: {  	s31 =	sadd.s32 $0x1, s31  }
0x1b: {  	_ =	swait.ge [sflag:s29], $0x4000;
	p0 =	sne.s32 s31, s7  }
.Ltmp1:
0x1c: {  	[sflag:s29] =	ssyncset.done $0x0;
	(pc) =	sbr.rel @!p0 .LBB2_8-.Ltmp1, $4  }
0x1d: {  	[sflag:s29] =	ssyncadd.s32 $0xFFFFC000  }
0x1e: {  	_ =	swait.ge [sflag:s30], $0x4000  }
0x1f: {  	[sflag:s30] =	ssyncset.done $0x0  }
0x20: {  	[sflag:s30] =	ssyncadd.s32 $0xFFFFC000  }
.LBB2_1:
0x21: {  	s0 =	rddreg [dreg:$0x4]  }
0x22: {  	[spmem:s12], [sflag:s5] =	dma.local [hbm:s0], $0xD00  }
0x23: {  	[tilespmem:s3], [sflag:$0x6] =	stream.linear.gather [hbm4b:s6+s3], $0x6400, $0x38;
	[tilespmem:$0x1CE00] =	vst v63  }
0x24: {  	_ =	swait.ge [sflag:s13], $0xD00  }
0x25: {  	[sflag:s13] =	ssyncset.done $0x0  }
0x26: {  	[sflag:s13] =	ssyncadd.s32 $0xFFFFF300  }
0x27: {  	_ =	swait.ge [sflag:s14], $0x6400  }
0x28: {  	[sflag:s14] =	ssyncset.done $0x0  }
0x29: {  	[sflag:s14] =	ssyncadd.s32 $0xFFFF9C00  }
0x2a: {  	v26 =	vld [tilespmem:$0x0]  }
0x2b: {  	v27 =	vld [tilespmem:$0x10]  }
0x2c: {  	v28 =	vld [tilespmem:$0x20]  }
0x2d: {  	v29 =	vld [tilespmem:$0x30]  }
0x2e: {  	v30 =	vld [tilespmem:$0x40]  }
0x2f: {  	vm0 =	veq.s32 v26, $0x0;
	v26 =	vld [tilespmem:$0x50]  }
0x30: {  	vm13 =	veq.s32 v27, $0x0;
	v27 =	vld [tilespmem:$0x60];
	v31 =	vsel vm0, v1, v2  }
0x31: {  	v53 =	vld [tilespmem:$0x70];
	vm14 =	veq.s32 v28, $0x0;
	v52 =	vsel vm13, v3, v4;
	[tilespmem:$0x6400] =	vst v31  }
0x32: {  	vm15 =	veq.s32 v29, $0x0;
	v54 =	vsel vm14, v5, v6;
	[tilespmem:$0x6410] =	vst v52  }
0x33: {  	vm4 =	veq.s32 v30, $0x0;
	v29 =	vsel vm15, v7, v8;
	[tilespmem:$0x6420] =	vst v54  }
0x34: {  	v55 =	vsel vm4, v9, v10;
	[tilespmem:$0x6430] =	vst v29;
	vm5 =	veq.s32 v26, $0x0  }
0x35: {  	[tilespmem:$0x6440] =	vst v55;
	vm6 =	veq.s32 v27, $0x0;
	v26 =	vsel vm5, v11, v12  }
0x36: {  	vm7 =	veq.s32 v53, $0x0;
	[tilespmem:$0x6450] =	vst v26;
	v26 =	vsel vm6, v13, v14  }
0x37: {  	[tilespmem:$0x6460] =	vst v26;
	v26 =	vsel vm7, v15, v16  }
0x38: {  	[tilespmem:$0x6470] =	vst v26  }
0x39: {  	[tilespmem:s17], [sflag:$0x1] =	stream.indirect.gather [spmem:s2], $0x80, s16, s15, $0xb8;
	[tilespmem:$0x1CE00] =	vst v63  }
0x3a: {  	v26 =	vld [tilespmem:$0x80]  }
0x3b: {  	v27 =	vld [tilespmem:$0x90]  }
0x3c: {  	v56 =	vld [tilespmem:$0xA0]  }
0x3d: {  	v57 =	vld [tilespmem:$0xB0]  }
0x3e: {  	v58 =	vld [tilespmem:$0xC0]  }
0x3f: {  	vm8 =	veq.s32 v26, $0x0;
	v26 =	vld [tilespmem:$0xD0]  }
0x40: {  	vm9 =	veq.s32 v27, $0x0;
	v27 =	vld [tilespmem:$0xE0]  }
0x41: {  	v61 =	vld [tilespmem:$0xF0];
	v59 =	vsel vm8, v17, v2  }
0x42: {  	vm10 =	veq.s32 v56, $0x0;
	v60 =	vsel vm9, v18, v4;
	[tilespmem:$0x6480] =	vst v59  }
0x43: {  	vm11 =	veq.s32 v57, $0x0;
	v62 =	vsel vm10, v19, v6;
	[tilespmem:$0x6490] =	vst v60  }
0x44: {  	v29 =	vsel vm11, v20, v8;
	[tilespmem:$0x64A0] =	vst v62;
	vm13 =	veq.s32 v26, $0x0  }
0x45: {  	[tilespmem:$0x64B0] =	vst v29;
	vm14 =	veq.s32 v27, $0x0;
	v26 =	vsel vm13, v22, v12  }
.Ltmp2:
0x46: {  	vm12 =	veq.s32 v58, $0x0;
	vm15 =	veq.s32 v61, $0x0;
	[tilespmem:$0x64D0] =	vst v26;
	v26 =	vsel vm14, v23, v14;
	(pc) =	sbr.rel .LBB2_2-.Ltmp2, $4  }
0x47: {  	v63 =	vsel vm12, v21, v10;
	[tilespmem:$0x64E0] =	vst v26;
	v26 =	vsel vm15, v24, v16  }
0x48: {  	[tilespmem:$0x64C0] =	vst v63  }
0x49: {  	s1 =	simm.s32 $0x180;
	s0 =	simm.s32 $0x0;
	[tilespmem:$0x64F0] =	vst v26  }
0x4a: {  	[tilespmem:s19], [sflag:$0x2] =	stream.indirect.gather [spmem:s2], $0x80, s18, s15, $0xb8;
	v26 =	vmov v25;
	[tilespmem:$0x1CE00] =	vst v63  }
.LBB2_6:
0x4b: {  	s4 =	sadd.s32 s0, s9;
	s0 =	sadd.s32 $0x2000, s0  }
0x4c: {  	p0 =	sne.s32 s0, $0x64000  }
.Ltmp3:
0x4d: {  	_ = 	snop;
	(pc) =	sbr.rel @!p0 .LBB2_7-.Ltmp3, $4  }
0x4e: {  	_ =	swait.ge [sflag:s28], $0x4000  }
0x4f: {  	v27 =	vadd.s32 $0x80, v26;
	[sflag:s28] =	ssyncset.done $0x0  }
0x50: {  	v26 =	vadd.s32 $0xFFFFFFB8, v26;
	s1 =	sadd.s32 $0x200, s1;
	vm0 =	vgt.s32 v27, $0xC7;
	[sflag:s28] =	ssyncadd.s32 $0xFFFFC000  }
0x51: {  	v26 =	vsel vm0, v26, v27;
	[hbm4b:s4+s3] =	stream.linear.scatter [tilespmem:s24], [sflag:$0x8], $0x4000, $0x38;
	[tilespmem:$0x1CE00] =	vst v63  }
.LBB2_2:
0x52: {  	p0 =	seq.s32 s0, $0x0  }
0x53: {  	s4 =	simm.s32 @!p0 $0x7  }
0x54: {  	_ =	swait.ge @!p0 [sflag:s4], $0x4000  }
0x55: {  	[sflag:s4] =	ssyncset.done @!p0 $0x0  }
0x56: {  	[sflag:s4] =	ssyncadd.s32 @!p0 $0xFFFFC000  }
0x57: {  	v27 =	vld [tilespmem:s1+$0xFFFFFF80];
	_ =	sdelay $0x4  }
0x58: {  	vm0 =	veq.s32 v27, $0x0;
	v27 =	vadd.s32 v0, v26  }
0x59: {  	v27 =	vsel vm0, v27, v2  }
0x5a: {  	[tilespmem:$0x6500] =	vst v27  }
0x5b: {  	v27 =	vld [tilespmem:s1+$0xFFFFFF90];
	_ =	sdelay $0x1  }
0x5c: {  	v28 =	vadd.s32 $0x10, v26  }
0x5d: {  	v29 =	vadd.s32 $0xFFFFFF48, v26;
	vm9 =	vgt.s32 v28, $0xC7  }
0x5e: {  	v28 =	vsel vm9, v29, v28  }
0x5f: {  	vm10 =	veq.s32 v27, $0x0;
	v27 =	vadd.s32 v0, v28  }
0x60: {  	v27 =	vsel vm10, v27, v4  }
0x61: {  	[tilespmem:$0x6510] =	vst v27  }
0x62: {  	v27 =	vld [tilespmem:s1+$0xFFFFFFA0];
	_ =	sdelay $0x1  }
0x63: {  	v29 =	vadd.s32 $0x10, v28  }
0x64: {  	vm11 =	vgt.s32 v29, $0xC7;
	v28 =	vadd.s32 $0xFFFFFF48, v28  }
0x65: {  	v28 =	vsel vm11, v28, v29  }
0x66: {  	vm12 =	veq.s32 v27, $0x0;
	v27 =	vadd.s32 v0, v28  }
0x67: {  	v27 =	vsel vm12, v27, v6  }
0x68: {  	[tilespmem:$0x6520] =	vst v27  }
0x69: {  	v27 =	vld [tilespmem:s1+$0xFFFFFFB0];
	_ =	sdelay $0x1  }
0x6a: {  	v29 =	vadd.s32 $0x10, v28  }
0x6b: {  	vm13 =	vgt.s32 v29, $0xC7;
	v28 =	vadd.s32 $0xFFFFFF48, v28  }
0x6c: {  	v28 =	vsel vm13, v28, v29  }
0x6d: {  	vm14 =	veq.s32 v27, $0x0;
	v27 =	vadd.s32 v0, v28  }
0x6e: {  	v27 =	vsel vm14, v27, v8  }
0x6f: {  	[tilespmem:$0x6530] =	vst v27  }
0x70: {  	v27 =	vld [tilespmem:s1+$0xFFFFFFC0];
	_ =	sdelay $0x1  }
0x71: {  	v29 =	vadd.s32 $0x10, v28  }
0x72: {  	vm15 =	vgt.s32 v29, $0xC7;
	v28 =	vadd.s32 $0xFFFFFF48, v28  }
0x73: {  	v28 =	vsel vm15, v28, v29  }
0x74: {  	vm4 =	veq.s32 v27, $0x0;
	v27 =	vadd.s32 v0, v28  }
0x75: {  	v27 =	vsel vm4, v27, v10  }
0x76: {  	[tilespmem:$0x6540] =	vst v27  }
0x77: {  	v27 =	vld [tilespmem:s1+$0xFFFFFFD0];
	_ =	sdelay $0x1  }
0x78: {  	v29 =	vadd.s32 $0x10, v28  }
0x79: {  	vm5 =	vgt.s32 v29, $0xC7;
	v28 =	vadd.s32 $0xFFFFFF48, v28  }
0x7a: {  	v28 =	vsel vm5, v28, v29  }
0x7b: {  	vm6 =	veq.s32 v27, $0x0;
	v27 =	vadd.s32 v0, v28  }
0x7c: {  	v27 =	vsel vm6, v27, v12  }
0x7d: {  	[tilespmem:$0x6550] =	vst v27  }
0x7e: {  	v27 =	vld [tilespmem:s1+$0xFFFFFFE0];
	_ =	sdelay $0x1  }
0x7f: {  	v29 =	vadd.s32 $0x10, v28  }
0x80: {  	vm7 =	vgt.s32 v29, $0xC7;
	v28 =	vadd.s32 $0xFFFFFF48, v28  }
0x81: {  	v28 =	vsel vm7, v28, v29  }
0x82: {  	vm8 =	veq.s32 v27, $0x0;
	v27 =	vadd.s32 v0, v28  }
0x83: {  	v27 =	vsel vm8, v27, v14  }
0x84: {  	[tilespmem:$0x6560] =	vst v27  }
0x85: {  	v27 =	vld [tilespmem:s1+$0xFFFFFFF0];
	_ =	sdelay $0x1  }
0x86: {  	v29 =	vadd.s32 $0x10, v28  }
0x87: {  	vm9 =	vgt.s32 v29, $0xC7;
	v28 =	vadd.s32 $0xFFFFFF48, v28  }
0x88: {  	v28 =	vsel vm9, v28, v29  }
0x89: {  	vm10 =	veq.s32 v27, $0x0;
	v27 =	vadd.s32 v0, v28  }
0x8a: {  	v27 =	vsel vm10, v27, v16  }
0x8b: {  	[tilespmem:$0x6570] =	vst v27  }
0x8c: {  	[tilespmem:s21], [sflag:$0x3] =	stream.indirect.gather [spmem:s2], $0x80, s20, s15, $0xb8;
	[tilespmem:$0x1CE00] =	vst v63  }
0x8d: {  	_ =	swait.ge [sflag:s22], $0x4000  }
0x8e: {  	[sflag:s22] =	ssyncset.done $0x0  }
0x8f: {  	s4 =	sadd.s32 s0, s10;
	[sflag:s22] =	ssyncadd.s32 $0xFFFFC000  }
0x90: {  	[hbm4b:s4+s3] =	stream.linear.scatter [tilespmem:s17], [sflag:$0x5], $0x4000, $0x38;
	[tilespmem:$0x1CE00] =	vst v63  }
0x91: {  	s4 =	simm.s32 @!p0 $0x8  }
0x92: {  	_ =	swait.ge @!p0 [sflag:s4], $0x4000  }
0x93: {  	[sflag:s4] =	ssyncset.done @!p0 $0x0  }
0x94: {  	[sflag:s4] =	ssyncadd.s32 @!p0 $0xFFFFC000  }
0x95: {  	v27 =	vld [tilespmem:s1+$0x0];
	_ =	sdelay $0x1  }
0x96: {  	v62 =	vadd.s32 $0x80, v26  }
0x97: {  	v26 =	vadd.s32 $0xFFFFFFB8, v26;
	vm11 =	vgt.s32 v62, $0xC7  }
0x98: {  	v26 =	vsel vm11, v26, v62  }
0x99: {  	vm12 =	veq.s32 v27, $0x0;
	v27 =	vadd.s32 v0, v26  }
0x9a: {  	v27 =	vsel vm12, v27, v2  }
0x9b: {  	[tilespmem:$0x6580] =	vst v27  }
0x9c: {  	v27 =	vld [tilespmem:s1+$0x10];
	_ =	sdelay $0x1  }
0x9d: {  	v28 =	vadd.s32 $0x10, v26  }
0x9e: {  	v63 =	vadd.s32 $0xFFFFFF48, v26;
	vm13 =	vgt.s32 v28, $0xC7  }
0x9f: {  	v28 =	vsel vm13, v63, v28  }
0xa0: {  	vm14 =	veq.s32 v27, $0x0;
	v27 =	vadd.s32 v0, v28  }
0xa1: {  	v27 =	vsel vm14, v27, v4  }
0xa2: {  	[tilespmem:$0x6590] =	vst v27  }
0xa3: {  	v27 =	vld [tilespmem:s1+$0x20];
	_ =	sdelay $0x1  }
0xa4: {  	v29 =	vadd.s32 $0x10, v28  }
0xa5: {  	vm15 =	vgt.s32 v29, $0xC7;
	v28 =	vadd.s32 $0xFFFFFF48, v28  }
0xa6: {  	v28 =	vsel vm15, v28, v29  }
0xa7: {  	vm4 =	veq.s32 v27, $0x0;
	v27 =	vadd.s32 v0, v28  }
0xa8: {  	v27 =	vsel vm4, v27, v6  }
0xa9: {  	[tilespmem:$0x65A0] =	vst v27  }
0xaa: {  	v27 =	vld [tilespmem:s1+$0x30];
	_ =	sdelay $0x1  }
0xab: {  	v29 =	vadd.s32 $0x10, v28  }
0xac: {  	vm5 =	vgt.s32 v29, $0xC7;
	v28 =	vadd.s32 $0xFFFFFF48, v28  }
0xad: {  	v28 =	vsel vm5, v28, v29  }
0xae: {  	vm6 =	veq.s32 v27, $0x0;
	v27 =	vadd.s32 v0, v28  }
0xaf: {  	v27 =	vsel vm6, v27, v8  }
0xb0: {  	[tilespmem:$0x65B0] =	vst v27  }
0xb1: {  	v27 =	vld [tilespmem:s1+$0x40];
	_ =	sdelay $0x1  }
0xb2: {  	v29 =	vadd.s32 $0x10, v28  }
0xb3: {  	vm7 =	vgt.s32 v29, $0xC7;
	v28 =	vadd.s32 $0xFFFFFF48, v28  }
0xb4: {  	v28 =	vsel vm7, v28, v29  }
0xb5: {  	vm8 =	veq.s32 v27, $0x0;
	v27 =	vadd.s32 v0, v28  }
0xb6: {  	v27 =	vsel vm8, v27, v10  }
0xb7: {  	[tilespmem:$0x65C0] =	vst v27  }
0xb8: {  	v27 =	vld [tilespmem:s1+$0x50];
	_ =	sdelay $0x1  }
0xb9: {  	v29 =	vadd.s32 $0x10, v28  }
0xba: {  	vm9 =	vgt.s32 v29, $0xC7;
	v28 =	vadd.s32 $0xFFFFFF48, v28  }
0xbb: {  	v28 =	vsel vm9, v28, v29  }
0xbc: {  	vm10 =	veq.s32 v27, $0x0;
	v27 =	vadd.s32 v0, v28  }
0xbd: {  	v27 =	vsel vm10, v27, v12  }
0xbe: {  	[tilespmem:$0x65D0] =	vst v27  }
0xbf: {  	v27 =	vld [tilespmem:s1+$0x60];
	_ =	sdelay $0x1  }
0xc0: {  	v29 =	vadd.s32 $0x10, v28  }
0xc1: {  	vm11 =	vgt.s32 v29, $0xC7;
	v28 =	vadd.s32 $0xFFFFFF48, v28  }
0xc2: {  	v28 =	vsel vm11, v28, v29  }
0xc3: {  	vm12 =	veq.s32 v27, $0x0;
	v27 =	vadd.s32 v0, v28  }
0xc4: {  	v27 =	vsel vm12, v27, v14  }
0xc5: {  	[tilespmem:$0x65E0] =	vst v27  }
0xc6: {  	v27 =	vld [tilespmem:s1+$0x70];
	_ =	sdelay $0x1  }
0xc7: {  	v29 =	vadd.s32 $0x10, v28  }
0xc8: {  	vm13 =	vgt.s32 v29, $0xC7;
	v28 =	vadd.s32 $0xFFFFFF48, v28  }
0xc9: {  	v28 =	vsel vm13, v28, v29  }
0xca: {  	vm14 =	veq.s32 v27, $0x0;
	v27 =	vadd.s32 v0, v28  }
0xcb: {  	v27 =	vsel vm14, v27, v16  }
0xcc: {  	[tilespmem:$0x65F0] =	vst v27  }
0xcd: {  	[tilespmem:s24], [sflag:$0x4] =	stream.indirect.gather [spmem:s2], $0x80, s23, s15, $0xb8;
	[tilespmem:$0x1CE00] =	vst v63  }
0xce: {  	_ =	swait.ge [sflag:s25], $0x4000  }
0xcf: {  	p0 =	seq.s32 s0, $0x62000;
	[sflag:s25] =	ssyncset.done $0x0  }
.Ltmp4:
0xd0: {  	s4 =	sadd.s32 s0, s11;
	[sflag:s25] =	ssyncadd.s32 $0xFFFFC000;
	(pc) =	sbr.rel @p0 .LBB2_4-.Ltmp4, $4  }
0xd1: {  	[hbm4b:s4+s3] =	stream.linear.scatter [tilespmem:s19], [sflag:$0x6], $0x4000, $0x38;
	[tilespmem:$0x1CE00] =	vst v63  }
0xd2: {  	v27 =	vadd.s32 $0x80, v26;
	_ =	swait.ge [sflag:s13], $0x4000  }
0xd3: {  	v26 =	vadd.s32 $0xFFFFFFB8, v26;
	vm15 =	vgt.s32 v27, $0xC7;
	[sflag:s13] =	ssyncset.done $0x0  }
0xd4: {  	v26 =	vsel vm15, v26, v27;
	[sflag:s13] =	ssyncadd.s32 $0xFFFFC000  }
0xd5: {  	v27 =	vld [tilespmem:s1+$0x80];
	_ =	sdelay $0x4  }
0xd6: {  	vm0 =	veq.s32 v27, $0x0;
	v27 =	vadd.s32 v0, v26  }
0xd7: {  	v27 =	vsel vm0, v27, v2  }
0xd8: {  	[tilespmem:$0x6400] =	vst v27  }
0xd9: {  	v27 =	vld [tilespmem:s1+$0x90];
	_ =	sdelay $0x1  }
0xda: {  	v28 =	vadd.s32 $0x10, v26  }
0xdb: {  	v29 =	vadd.s32 $0xFFFFFF48, v26;
	vm14 =	vgt.s32 v28, $0xC7  }
0xdc: {  	v28 =	vsel vm14, v29, v28  }
0xdd: {  	vm15 =	veq.s32 v27, $0x0;
	v27 =	vadd.s32 v0, v28  }
0xde: {  	v27 =	vsel vm15, v27, v4  }
0xdf: {  	[tilespmem:$0x6410] =	vst v27  }
0xe0: {  	v27 =	vld [tilespmem:s1+$0xA0];
	_ =	sdelay $0x1  }
0xe1: {  	v29 =	vadd.s32 $0x10, v28  }
0xe2: {  	vm4 =	vgt.s32 v29, $0xC7;
	v28 =	vadd.s32 $0xFFFFFF48, v28  }
0xe3: {  	v28 =	vsel vm4, v28, v29  }
0xe4: {  	vm5 =	veq.s32 v27, $0x0;
	v27 =	vadd.s32 v0, v28  }
0xe5: {  	v27 =	vsel vm5, v27, v6  }
0xe6: {  	[tilespmem:$0x6420] =	vst v27  }
0xe7: {  	v27 =	vld [tilespmem:s1+$0xB0];
	_ =	sdelay $0x1  }
0xe8: {  	v29 =	vadd.s32 $0x10, v28  }
0xe9: {  	vm6 =	vgt.s32 v29, $0xC7;
	v28 =	vadd.s32 $0xFFFFFF48, v28  }
0xea: {  	v28 =	vsel vm6, v28, v29  }
0xeb: {  	vm7 =	veq.s32 v27, $0x0;
	v27 =	vadd.s32 v0, v28  }
0xec: {  	v27 =	vsel vm7, v27, v8  }
0xed: {  	[tilespmem:$0x6430] =	vst v27  }
0xee: {  	v27 =	vld [tilespmem:s1+$0xC0];
	_ =	sdelay $0x1  }
0xef: {  	v29 =	vadd.s32 $0x10, v28  }
0xf0: {  	vm8 =	vgt.s32 v29, $0xC7;
	v28 =	vadd.s32 $0xFFFFFF48, v28  }
0xf1: {  	v28 =	vsel vm8, v28, v29  }
0xf2: {  	vm9 =	veq.s32 v27, $0x0;
	v27 =	vadd.s32 v0, v28  }
0xf3: {  	v27 =	vsel vm9, v27, v10  }
0xf4: {  	[tilespmem:$0x6440] =	vst v27  }
0xf5: {  	v27 =	vld [tilespmem:s1+$0xD0];
	_ =	sdelay $0x1  }
0xf6: {  	v29 =	vadd.s32 $0x10, v28  }
0xf7: {  	vm10 =	vgt.s32 v29, $0xC7;
	v28 =	vadd.s32 $0xFFFFFF48, v28  }
0xf8: {  	v28 =	vsel vm10, v28, v29  }
0xf9: {  	vm11 =	veq.s32 v27, $0x0;
	v27 =	vadd.s32 v0, v28  }
0xfa: {  	v27 =	vsel vm11, v27, v12  }
0xfb: {  	[tilespmem:$0x6450] =	vst v27  }
0xfc: {  	v27 =	vld [tilespmem:s1+$0xE0];
	_ =	sdelay $0x1  }
0xfd: {  	v29 =	vadd.s32 $0x10, v28  }
0xfe: {  	vm12 =	vgt.s32 v29, $0xC7;
	v28 =	vadd.s32 $0xFFFFFF48, v28  }
0xff: {  	v28 =	vsel vm12, v28, v29  }
0x100: {  	vm13 =	veq.s32 v27, $0x0;
	v27 =	vadd.s32 v0, v28  }
0x101: {  	v27 =	vsel vm13, v27, v14  }
0x102: {  	[tilespmem:$0x6460] =	vst v27  }
0x103: {  	v27 =	vld [tilespmem:s1+$0xF0];
	_ =	sdelay $0x1  }
0x104: {  	v29 =	vadd.s32 $0x10, v28  }
0x105: {  	vm14 =	vgt.s32 v29, $0xC7;
	v28 =	vadd.s32 $0xFFFFFF48, v28  }
0x106: {  	v28 =	vsel vm14, v28, v29  }
0x107: {  	vm15 =	veq.s32 v27, $0x0;
	v27 =	vadd.s32 v0, v28  }
0x108: {  	v27 =	vsel vm15, v27, v16  }
0x109: {  	[tilespmem:$0x6470] =	vst v27  }
0x10a: {  	[tilespmem:s17], [sflag:$0x1] =	stream.indirect.gather [spmem:s2], $0x80, s16, s15, $0xb8;
	[tilespmem:$0x1CE00] =	vst v63  }
.LBB2_4:
0x10b: {  	_ =	swait.ge [sflag:s26], $0x4000  }
0x10c: {  	[sflag:s26] =	ssyncset.done $0x0  }
.Ltmp5:
0x10d: {  	s4 =	sadd.s32 s0, s8;
	[sflag:s26] =	ssyncadd.s32 $0xFFFFC000;
	(pc) =	sbr.rel @p0 .LBB2_6-.Ltmp5, $4  }
0x10e: {  	[hbm4b:s4+s3] =	stream.linear.scatter [tilespmem:s21], [sflag:$0x7], $0x4000, $0x38;
	[tilespmem:$0x1CE00] =	vst v63  }
0x10f: {  	v27 =	vadd.s32 $0x80, v26;
	_ =	swait.ge [sflag:s14], $0x4000  }
0x110: {  	v26 =	vadd.s32 $0xFFFFFFB8, v26;
	vm0 =	vgt.s32 v27, $0xC7;
	[sflag:s14] =	ssyncset.done $0x0  }
0x111: {  	v26 =	vsel vm0, v26, v27;
	[sflag:s14] =	ssyncadd.s32 $0xFFFFC000  }
0x112: {  	v27 =	vld [tilespmem:s1+$0x100];
	_ =	sdelay $0x4  }
0x113: {  	vm0 =	veq.s32 v27, $0x0;
	v27 =	vadd.s32 v0, v26  }
0x114: {  	v27 =	vsel vm0, v27, v2  }
0x115: {  	[tilespmem:$0x6480] =	vst v27  }
0x116: {  	v27 =	vld [tilespmem:s1+$0x110];
	_ =	sdelay $0x1  }
0x117: {  	v28 =	vadd.s32 $0x10, v26  }
0x118: {  	v29 =	vadd.s32 $0xFFFFFF48, v26;
	vm14 =	vgt.s32 v28, $0xC7  }
0x119: {  	v28 =	vsel vm14, v29, v28  }
0x11a: {  	vm15 =	veq.s32 v27, $0x0;
	v27 =	vadd.s32 v0, v28  }
0x11b: {  	v27 =	vsel vm15, v27, v4  }
0x11c: {  	[tilespmem:$0x6490] =	vst v27  }
0x11d: {  	v27 =	vld [tilespmem:s1+$0x120];
	_ =	sdelay $0x1  }
0x11e: {  	v29 =	vadd.s32 $0x10, v28  }
0x11f: {  	vm4 =	vgt.s32 v29, $0xC7;
	v28 =	vadd.s32 $0xFFFFFF48, v28  }
0x120: {  	v28 =	vsel vm4, v28, v29  }
0x121: {  	vm5 =	veq.s32 v27, $0x0;
	v27 =	vadd.s32 v0, v28  }
0x122: {  	v27 =	vsel vm5, v27, v6  }
0x123: {  	[tilespmem:$0x64A0] =	vst v27  }
0x124: {  	v27 =	vld [tilespmem:s1+$0x130];
	_ =	sdelay $0x1  }
0x125: {  	v29 =	vadd.s32 $0x10, v28  }
0x126: {  	vm6 =	vgt.s32 v29, $0xC7;
	v28 =	vadd.s32 $0xFFFFFF48, v28  }
0x127: {  	v28 =	vsel vm6, v28, v29  }
0x128: {  	vm7 =	veq.s32 v27, $0x0;
	v27 =	vadd.s32 v0, v28  }
0x129: {  	v27 =	vsel vm7, v27, v8  }
0x12a: {  	[tilespmem:$0x64B0] =	vst v27  }
0x12b: {  	v27 =	vld [tilespmem:s1+$0x140];
	_ =	sdelay $0x1  }
0x12c: {  	v29 =	vadd.s32 $0x10, v28  }
0x12d: {  	vm8 =	vgt.s32 v29, $0xC7;
	v28 =	vadd.s32 $0xFFFFFF48, v28  }
0x12e: {  	v28 =	vsel vm8, v28, v29  }
0x12f: {  	vm9 =	veq.s32 v27, $0x0;
	v27 =	vadd.s32 v0, v28  }
0x130: {  	v27 =	vsel vm9, v27, v10  }
0x131: {  	[tilespmem:$0x64C0] =	vst v27  }
0x132: {  	v27 =	vld [tilespmem:s1+$0x150];
	_ =	sdelay $0x1  }
0x133: {  	v29 =	vadd.s32 $0x10, v28  }
0x134: {  	vm10 =	vgt.s32 v29, $0xC7;
	v28 =	vadd.s32 $0xFFFFFF48, v28  }
0x135: {  	v28 =	vsel vm10, v28, v29  }
0x136: {  	vm11 =	veq.s32 v27, $0x0;
	v27 =	vadd.s32 v0, v28  }
0x137: {  	v27 =	vsel vm11, v27, v12  }
0x138: {  	[tilespmem:$0x64D0] =	vst v27  }
0x139: {  	v27 =	vld [tilespmem:s1+$0x160];
	_ =	sdelay $0x1  }
0x13a: {  	v29 =	vadd.s32 $0x10, v28  }
0x13b: {  	vm12 =	vgt.s32 v29, $0xC7;
	v28 =	vadd.s32 $0xFFFFFF48, v28  }
0x13c: {  	v28 =	vsel vm12, v28, v29  }
0x13d: {  	vm13 =	veq.s32 v27, $0x0;
	v27 =	vadd.s32 v0, v28  }
0x13e: {  	v27 =	vsel vm13, v27, v14  }
0x13f: {  	[tilespmem:$0x64E0] =	vst v27  }
0x140: {  	v27 =	vld [tilespmem:s1+$0x170];
	_ =	sdelay $0x1  }
0x141: {  	v29 =	vadd.s32 $0x10, v28  }
0x142: {  	vm14 =	vgt.s32 v29, $0xC7;
	v28 =	vadd.s32 $0xFFFFFF48, v28  }
.Ltmp6:
0x143: {  	v28 =	vsel vm14, v28, v29;
	(pc) =	sbr.rel .LBB2_6-.Ltmp6, $4  }
0x144: {  	vm15 =	veq.s32 v27, $0x0;
	v27 =	vadd.s32 v0, v28  }
0x145: {  	v27 =	vsel vm15, v27, v16  }
0x146: {  	[tilespmem:$0x64F0] =	vst v27  }
0x147: {  	[tilespmem:s19], [sflag:$0x2] =	stream.indirect.gather [spmem:s2], $0x80, s18, s15, $0xb8;
	[tilespmem:$0x1CE00] =	vst v63  }
.LBB2_8:
0x148: {  	_ =	sfence.sel $0x180000  }
0x149: {  	[bflag:$0x0] =	sbarrier.arrive $0xFFFF  }
0x14a: {  	_ =	strace $0x90000047  }
0x14b: {  	s0 =	stileid.u32;
	[bflag:$0x2] =	sbarrier.arrive $0xFFFF  }
0x14c: {  	p0 =	sne.s32 s0, $0x0;
	s0 =	rddreg [dreg:$0x3]  }
0x14d: {  	s0 =	sadd.s32 @!p0 $0x100000, s0  }
0x14e: {  	[sflag:s0] =	ssyncadd.tile.s32 @!p0 $0x1;
	_ =	shalt  }
.Lfunc_end2:
_tile_overlayer_lowered:
.L_overlay_start_2:
0x14f: {  	(tag) =	ssettag $0x2  }
0x150: {  	s0 =	rddreg [dreg:$0x0];
	s2 =	stileid.u32  }
0x151: {  	s1 =	rddreg [dreg:$0x1];
	p0 =	sne.s32 s2, $0x0  }
0x152: {  	s3 =	rddreg [dreg:$0x2];
	[bflag:$0x3] =	sbarrier.arrive $0xFFFF;
	s2 =	simm.s32 @!p0 $0x1C09  }
0x153: {  	[timem:s3], [sflag:s2] =	dma.local @!p0 [hbm:s0], s1  }
0x154: {  	s0 =	simm.s32 @!p0 $0x9  }
0x155: {  	_ =	swait.ge @!p0 [sflag:s0], s1  }
0x156: {  	s1 =	ssub.s32 @!p0 $0x0, s1;
	[sflag:s0] =	ssyncset.done @!p0 $0x0  }
0x157: {  	[sflag:s0] =	ssyncadd.s32 @!p0 s1  }
0x158: {  	[bflag:$0x3] =	sbarrier.arrive $0xFFFF  }
0x159: {  	_ =	shalt  }

</sc_bundles>
